<compile_context>
chip_gen: v7x
topology: tpu7x:2x2x1
jax: 0.10.2.dev20260603
libtpu: 0.0.44.dev20260713+nightly
codegen_flags: <defaults>
</compile_context>

<pallas_src>
import functools

import jax
import jax.numpy as jnp
from jax import lax
from jax.experimental import pallas as pl
from jax.experimental.pallas import tpu as pltpu
from jax.experimental.pallas import tpu_sc as plsc

KNN = 16
NBR = KNN + 1
CIN = 6
HID = 128
LAT = 256

RB = 1024
TW = 4096
PB = 256


def _knn_mlp_body(xb_ref, ptc_ref, w1_ref, b1_ref, w2_ref, b2_ref,
                  idx_ref, h_ref, scr):
    i = pl.program_id(1)
    nt = ptc_ref.shape[1]

    xb = xb_ref[0]
    h1 = jnp.maximum(
        jnp.dot(xb, w1_ref[...], preferred_element_type=jnp.float32)
        + b1_ref[...], 0.0)
    h_ref[0] = (jnp.dot(h1, w2_ref[...], preferred_element_type=jnp.float32)
                + b2_ref[...])

    lane8 = lax.broadcasted_iota(jnp.int32, (RB, 8), 1)
    xp = jnp.where(lane8 < 3, xb, 0.0)
    sqr = jnp.sum(xp * xp, axis=1)
    row_g = i * RB + lax.broadcasted_iota(jnp.int32, (RB, TW), 0)
    col_iota = lax.broadcasted_iota(jnp.int32, (RB, TW), 1)
    klane = lax.broadcasted_iota(jnp.int32, (RB, KNN), 1)
    big = jnp.int32(2 ** 30)

    def fill(j, m):
        pt = ptc_ref[0, j]
        sqc = jnp.sum(pt * pt, axis=0)
        cross = jnp.dot(xp, pt, preferred_element_type=jnp.float32)
        d2 = sqr[:, None] + sqc[None, :] - 2.0 * cross
        col_g = j * TW + col_iota
        d2 = jnp.where(col_g == row_g, d2 + 1e10, d2)
        scr[j] = d2
        return jnp.minimum(m, jnp.min(d2, axis=1))

    m0 = lax.fori_loop(0, nt, fill, jnp.full((RB,), jnp.inf, jnp.float32))

    def extract(t, ec):
        m, ci = ec

        def sweep(j, sc):
            best, nm = sc
            d2t = scr[j]
            col_g = j * TW + col_iota
            cand = jnp.min(jnp.where(d2t <= m[:, None], col_g, big), axis=1)
            hit = (col_g == cand[:, None]) & (best[:, None] == big)
            d2t = jnp.where(hit, jnp.inf, d2t)
            scr[j] = d2t
            return (jnp.minimum(best, cand),
                    jnp.minimum(nm, jnp.min(d2t, axis=1)))

        best, nm = lax.fori_loop(
            0, nt, sweep,
            (jnp.full((RB,), big, jnp.int32),
             jnp.full((RB,), jnp.inf, jnp.float32)))
        ci = jnp.where(klane == t, best[:, None], ci)
        return nm, ci

    ci0 = jnp.zeros((RB, KNN), jnp.int32)
    _, ci = lax.fori_loop(0, KNN, extract, (m0, ci0))
    idx_ref[0] = ci


def _knn_mlp(xb8, ptc, w1, b1, w2, b2):
    b, n, _ = xb8.shape
    nblk = n // RB
    grid = (b, nblk)
    return pl.pallas_call(
        _knn_mlp_body,
        grid=grid,
        scratch_shapes=[pltpu.VMEM((n // TW, RB, TW), jnp.float32)],
        in_specs=[
            pl.BlockSpec((1, RB, 8), lambda bi, i: (bi, i, 0)),
            pl.BlockSpec((1,) + ptc.shape[1:], lambda bi, i: (bi, 0, 0, 0)),
            pl.BlockSpec(w1.shape, lambda bi, i: (0, 0)),
            pl.BlockSpec(b1.shape, lambda bi, i: (0, 0)),
            pl.BlockSpec(w2.shape, lambda bi, i: (0, 0)),
            pl.BlockSpec(b2.shape, lambda bi, i: (0, 0)),
        ],
        out_specs=[
            pl.BlockSpec((1, RB, KNN), lambda bi, i: (bi, i, 0)),
            pl.BlockSpec((1, RB, HID), lambda bi, i: (bi, i, 0)),
        ],
        out_shape=[
            jax.ShapeDtypeStruct((b, n, KNN), jnp.int32),
            jax.ShapeDtypeStruct((b, n, HID), jnp.float32),
        ],
    )(xb8, ptc, w1, b1, w2, b2)


def _sc_gather(table, idx, chunk):
    info = plsc.get_sparse_core_info()
    nc, ns = info.num_cores, info.num_subcores
    nw = nc * ns
    e = idx.shape[0]
    d = table.shape[1]
    b_per_w = e // nw
    steps = b_per_w // chunk
    mesh = plsc.VectorSubcoreMesh(core_axis_name="c", subcore_axis_name="s")

    @functools.partial(
        pl.kernel, mesh=mesh,
        out_type=jax.ShapeDtypeStruct((e, d), jnp.float32),
        scratch_types=[
            pltpu.VMEM((chunk,), jnp.int32),
            pltpu.VMEM((chunk,), jnp.int32),
            pltpu.VMEM((chunk, d), jnp.float32),
            pltpu.VMEM((chunk, d), jnp.float32),
            pltpu.SemaphoreType.DMA,
            pltpu.SemaphoreType.DMA,
        ],
    )
    def gather_k(table_hbm, idx_hbm, out_hbm, idx0, idx1, rows0, rows1,
                 s0, s1):
        wid = lax.axis_index("s") * nc + lax.axis_index("c")
        base = wid * b_per_w

        def pair(p, carry):
            o0 = base + (2 * p) * chunk
            o1 = o0 + chunk
            pltpu.sync_copy(idx_hbm.at[pl.ds(o0, chunk)], idx0)
            cp0 = pltpu.async_copy(table_hbm.at[idx0], rows0, s0)
            pltpu.sync_copy(idx_hbm.at[pl.ds(o1, chunk)], idx1)
            cp1 = pltpu.async_copy(table_hbm.at[idx1], rows1, s1)
            cp0.wait()
            pltpu.sync_copy(rows0, out_hbm.at[pl.ds(o0, chunk)])
            cp1.wait()
            pltpu.sync_copy(rows1, out_hbm.at[pl.ds(o1, chunk)])
            return carry

        lax.fori_loop(0, steps // 2, pair, 0)

    return gather_k(table, idx)


def _pt_layer_body(g_ref, pg_ref, pi_ref, ws_ref, wv_ref, wp_ref, bp_ref,
                   out_ref, *, cout, reduce_max):
    g = g_ref[0].reshape(NBR * PB, HID)
    s = jnp.dot(g, ws_ref[...], preferred_element_type=jnp.float32)
    v = jnp.dot(g, wv_ref[...], preferred_element_type=jnp.float32)
    pg = pg_ref[0].reshape(NBR * PB, HID)[:, :16]
    pi = pi_ref[0]
    rel = jnp.broadcast_to(pi[None, :, :], (NBR, PB, 16)).reshape(
        NBR * PB, 16) - pg
    delta = (jnp.dot(rel, wp_ref[...], preferred_element_type=jnp.float32)
             + bp_ref[...])
    a = (delta - s).reshape(NBR, PB, cout)
    m = jnp.max(a, axis=0, keepdims=True)
    ex = jnp.exp(a - m)
    z = jnp.sum(ex, axis=0)
    w = ex * (v + delta).reshape(NBR, PB, cout)
    o = jnp.sum(w, axis=0) / z
    if reduce_max:
        out_ref[0, 0, 0] = jnp.max(o, axis=0)
    else:
        out_ref[0] = o


def _pt_layer(gt, posg, pos16, ws, wv, wp, bp, cout, reduce_max):
    b, _, n, _ = gt.shape
    nblk = n // PB
    body = functools.partial(_pt_layer_body, cout=cout, reduce_max=reduce_max)
    if reduce_max:
        out_spec = pl.BlockSpec((1, 1, 1, cout), lambda bi, i: (bi, i, 0, 0))
        out_shape = jax.ShapeDtypeStruct((b, nblk, 1, cout), jnp.float32)
    else:
        out_spec = pl.BlockSpec((1, PB, cout), lambda bi, i: (bi, i, 0))
        out_shape = jax.ShapeDtypeStruct((b, n, cout), jnp.float32)
    return pl.pallas_call(
        body,
        grid=(b, nblk),
        in_specs=[
            pl.BlockSpec((1, NBR, PB, HID), lambda bi, i: (bi, 0, i, 0)),
            pl.BlockSpec((1, NBR, PB, HID), lambda bi, i: (bi, 0, i, 0)),
            pl.BlockSpec((1, PB, 16), lambda bi, i: (bi, i, 0)),
            pl.BlockSpec(ws.shape, lambda bi, i: (0, 0)),
            pl.BlockSpec(wv.shape, lambda bi, i: (0, 0)),
            pl.BlockSpec(wp.shape, lambda bi, i: (0, 0)),
            pl.BlockSpec(bp.shape, lambda bi, i: (0, 0)),
        ],
        out_specs=out_spec,
        out_shape=out_shape,
    )(gt, posg, pos16, ws, wv, wp, bp)


def _pad_w(w, rows):
    return jnp.pad(w, ((0, rows - w.shape[0]), (0, 0)))


def kernel(x, params):
    b, cin, n = x.shape
    xb = jnp.transpose(x, (0, 2, 1))
    xb8 = jnp.pad(xb, ((0, 0), (0, 0), (0, 8 - cin)))
    post = jnp.pad(x[:, :3, :], ((0, 0), (0, 5), (0, 0)))
    nt = n // TW
    ptc = post.reshape(b, 8, nt, TW).transpose(0, 2, 1, 3)

    w1 = _pad_w(params['W1'], 8)
    b1 = params['b1'].reshape(1, HID)
    w2 = params['W2']
    b2 = params['b2'].reshape(1, HID)

    idx, h = _knn_mlp(xb8, ptc, w1, b1, w2, b2)

    self_col = jnp.broadcast_to(
        jnp.arange(n, dtype=jnp.int32)[None, :, None], (b, n, 1))
    nbr = jnp.concatenate([idx, self_col], axis=2)
    offs = (jnp.arange(b, dtype=jnp.int32) * n)[:, None, None]
    flat_idx = jnp.transpose(nbr + offs, (0, 2, 1)).reshape(b * n * NBR)

    pos16 = jnp.pad(xb[:, :, :3], ((0, 0), (0, 0), (0, 13)))
    pos128 = jnp.pad(xb[:, :, :3], ((0, 0), (0, 0), (0, HID - 3)))
    posg = _sc_gather(pos128.reshape(b * n, HID), flat_idx, 272)
    posg = posg.reshape(b, NBR, n, HID)

    for name, cout, last in (('pt1', HID, False), ('pt2', HID, False),
                             ('pt3', LAT, True)):
        p = params[name]
        gt = _sc_gather(h.reshape(b * n, HID), flat_idx, 272)
        gt = gt.reshape(b, NBR, n, HID)
        h = _pt_layer(gt, posg, pos16, p['Ws'], p['Wv'],
                      _pad_w(p['Wp'], 16), p['bp'].reshape(1, cout),
                      cout, last)

    return jnp.max(h, axis=(1, 2))

# --- scband reference (transcript-rebuilt; emitter-appended) ---
"""Pipeline reference for scband-point-transformer-encoder-46119358825124 (READ-ONLY COPY).

The authoritative reference and input builder live on the scoring server;
editing this copy changes nothing except your own understanding.
"""

import jax, jax.numpy as jnp
import numpy as np

K = 16
IN_CH = 6
HID = 128
LAT = 256
B = 2
N = 4096


def _linear_init(key, fan_in, fan_out, bias=True):
    k1, k2 = jax.random.split(key)
    W = jax.random.normal(k1, (fan_in, fan_out), dtype=jnp.float32) / np.sqrt(fan_in)
    if bias:
        b = jax.random.normal(k2, (fan_out,), dtype=jnp.float32) * 0.01
        return W, b
    return W


def _pt_params(key, cin, cout):
    ks = jax.random.split(key, 4)
    Wp, bp = _linear_init(ks[0], 3, cout)
    return {
        'Wv': _linear_init(ks[1], cin, cout, bias=False),
        'Ws': _linear_init(ks[2], cin, cout, bias=False),
        'Wd': _linear_init(ks[3], cin, cout, bias=False),
        'Wp': Wp,
        'bp': bp,
    }


def setup_inputs(seed: int = 0) -> dict:
    key = jax.random.key(seed)
    ks = jax.random.split(key, 6)
    x = jax.random.normal(ks[0], (B, IN_CH, N), dtype=jnp.float32)
    W1, b1 = _linear_init(ks[1], IN_CH, HID)
    W2, b2 = _linear_init(ks[2], HID, HID)
    params = {
        'W1': W1, 'b1': b1, 'W2': W2, 'b2': b2,
        'pt1': _pt_params(ks[3], HID, HID),
        'pt2': _pt_params(ks[4], HID, HID),
        'pt3': _pt_params(ks[5], HID, LAT),
    }
    return {'x': x, 'params': params}


def _knn_idx(pos, k):
    # pos: [N, 3]; returns [N, k] nearest-neighbor indices (self excluded),
    # matching torch_geometric knn_graph(loop=False, flow='source_to_target').
    pos = jax.lax.stop_gradient(pos)
    sq = jnp.sum(pos * pos, axis=-1)
    d2 = sq[:, None] + sq[None, :] - 2.0 * (pos @ pos.T)
    d2 = d2 + jnp.eye(pos.shape[0], dtype=d2.dtype) * 1e10
    _, idx = jax.lax.top_k(-d2, k)
    return idx


def _pt_conv(h, pos, nbr, p):
    # PyG PointTransformerConv with default pos_nn=Linear(3,out), attn_nn=None,
    # add_self_loops=True (self index appended in nbr's last column).
    q = h @ p['Wd']            # lin_dst(x_i)
    s = h @ p['Ws']            # lin_src(x_j)
    v = h @ p['Wv']            # lin(x_j)
    rel = pos[:, None, :] - pos[nbr]           # [N, k+1, 3]
    delta = rel @ p['Wp'] + p['bp']            # [N, k+1, out]
    alpha = q[:, None, :] - s[nbr] + delta     # [N, k+1, out]
    alpha = jax.nn.softmax(alpha, axis=1)      # softmax over neighbors per node/channel
    return jnp.sum(alpha * (v[nbr] + delta), axis=1)


def _forward(x, params):
    xb = jnp.transpose(x, (0, 2, 1))  # [B, N, C]

    def per_cloud(pc):
        pos = pc[:, :3]
        n = pc.shape[0]
        idx = _knn_idx(pos, K)
        nbr = jnp.concatenate([idx, jnp.arange(n)[:, None]], axis=1)  # add self-loop
        h = jax.nn.relu(pc @ params['W1'] + params['b1'])
        h = h @ params['W2'] + params['b2']
        h = _pt_conv(h, pos, nbr, params['pt1'])
        h = _pt_conv(h, pos, nbr, params['pt2'])
        h = _pt_conv(h, pos, nbr, params['pt3'])
        return jnp.max(h, axis=0)

    return jax.vmap(per_cloud)(xb)


def reference(x, params):
    return _forward(x, params)

if __name__ == "__main__":
    import jax
    _d = setup_inputs()
    print(jax.jit(kernel)(*tuple(_d.values())))

</pallas_src>

<mosaic_0001>
#map = affine_map<(d0, d1) -> (0, 0)>
#map1 = affine_map<(d0, d1) -> (0)>
module attributes {stable_mosaic.version = 14 : i64} {
  func.func @gather_k(%arg0: i32, %arg1: i32, %arg2: memref<8192x128xf32, #tpu.memory_space<hbm>>, %arg3: memref<139264xi32, #tpu.memory_space<hbm>>, %arg4: memref<139264x128xf32, #tpu.memory_space<hbm>>, %arg5: memref<272xi32, #tpu.memory_space<vmem>>, %arg6: memref<272xi32, #tpu.memory_space<vmem>>, %arg7: memref<272x128xf32, #tpu.memory_space<vmem>>, %arg8: memref<272x128xf32, #tpu.memory_space<vmem>>, %arg9: memref<!tpu.dma_semaphore, #tpu.memory_space<semaphore_mem>>, %arg10: memref<!tpu.dma_semaphore, #tpu.memory_space<semaphore_mem>>) attributes {dimension_semantics = [#tpu.dimension_semantics<core_parallel>, #tpu.dimension_semantics<subcore_parallel>], iteration_bounds = array<i64: 2, 16>, scalar_prefetch = 0 : i64, scratch_operands = 6 : i64, tpu.core_type = #tpu.core_type<sc_vector_subcore>, window_params = [{transform_indices = #map}, {transform_indices = #map1}, {transform_indices = #map}]} {
    %mul3A = arith.constant 2 : i32
    %mul3A_0 = arith.muli %arg1, %mul3A : i32
    %add3A = arith.addi %mul3A_0, %arg0 : i32
    %mul3A_1 = arith.constant 4352 : i32
    %mul3A_2 = arith.muli %add3A, %mul3A_1 : i32
    %scan3A = arith.constant 0 : i32
    %scan3A_3 = arith.constant 0 : i32
    %scan3A_4 = arith.constant 8 : i32
    %scan3A_5 = arith.addi %scan3A_3, %scan3A_4 : i32
    %scan3A_6 = arith.constant 1 : i32
    scf.for %scan3A_8 = %scan3A_3 to %scan3A_5 step %scan3A_6  : i32 {
      %mul3A_9 = arith.constant 2 : i32
      %mul3A_10 = arith.muli %mul3A_9, %scan3A_8 : i32
      %mul3A_11 = arith.constant 272 : i32
      %mul3A_12 = arith.muli %mul3A_10, %mul3A_11 : i32
      %add3A_13 = arith.addi %mul3A_2, %mul3A_12 : i32
      %add3A_14 = arith.constant 272 : i32
      %add3A_15 = arith.addi %add3A_13, %add3A_14 : i32
      "tpu.region"() ({
        %run_scoped3A = tpu.sem_alloc : memref<!tpu.dma_semaphore, #tpu.memory_space<semaphore_mem>>
        %dma_start3A_26 = tpu.memref_slice %arg3[%add3A_13] : memref<139264xi32, #tpu.memory_space<hbm>> -> memref<272xi32, #tpu.memory_space<hbm>>
        %dma_start3A_27 = tpu.memref_slice %arg3[%add3A_13] : memref<139264xi32, #tpu.memory_space<hbm>> -> memref<272xi32, #tpu.memory_space<hbm>>
        tpu.enqueue_dma source(%dma_start3A_27 : memref<272xi32, #tpu.memory_space<hbm>>) target(%arg5 : memref<272xi32, #tpu.memory_space<vmem>>) target_semaphore(%run_scoped3A : memref<!tpu.dma_semaphore, #tpu.memory_space<semaphore_mem>>)
        %dma_wait3A_28 = tpu.memref_slice %arg3[%add3A_13] : memref<139264xi32, #tpu.memory_space<hbm>> -> memref<272xi32, #tpu.memory_space<hbm>>
        %dma_wait3A_29 = tpu.memref_slice %arg3[%add3A_13] : memref<139264xi32, #tpu.memory_space<hbm>> -> memref<272xi32, #tpu.memory_space<hbm>>
        tpu.wait_dma2 semaphore(%run_scoped3A : memref<!tpu.dma_semaphore, #tpu.memory_space<semaphore_mem>>) src(%dma_wait3A_29 : memref<272xi32, #tpu.memory_space<hbm>>) dst(%arg5 : memref<272xi32, #tpu.memory_space<vmem>>)
        tpu.yield
      }) : () -> ()
      %dma_start3A = arith.constant 0 : i32
      %dma_start3A_16 = arith.constant 0 : i32
      %dma_start3A_17 = tpu.memref_slice %arg2[%dma_start3A, %dma_start3A_16] : memref<8192x128xf32, #tpu.memory_space<hbm>> -> memref<8192x128xf32, #tpu.memory_space<hbm>>
      tpu.enqueue_indirect_dma source(%dma_start3A_17 : memref<8192x128xf32, #tpu.memory_space<hbm>>) target(%arg7 : memref<272x128xf32, #tpu.memory_space<vmem>>) offsets(%arg5 : memref<272xi32, #tpu.memory_space<vmem>>) semaphore(%arg9 : memref<!tpu.dma_semaphore, #tpu.memory_space<semaphore_mem>>)
      "tpu.region"() ({
        %run_scoped3A = tpu.sem_alloc : memref<!tpu.dma_semaphore, #tpu.memory_space<semaphore_mem>>
        %dma_start3A_26 = tpu.memref_slice %arg3[%add3A_15] : memref<139264xi32, #tpu.memory_space<hbm>> -> memref<272xi32, #tpu.memory_space<hbm>>
        %dma_start3A_27 = tpu.memref_slice %arg3[%add3A_15] : memref<139264xi32, #tpu.memory_space<hbm>> -> memref<272xi32, #tpu.memory_space<hbm>>
        tpu.enqueue_dma source(%dma_start3A_27 : memref<272xi32, #tpu.memory_space<hbm>>) target(%arg6 : memref<272xi32, #tpu.memory_space<vmem>>) target_semaphore(%run_scoped3A : memref<!tpu.dma_semaphore, #tpu.memory_space<semaphore_mem>>)
        %dma_wait3A_28 = tpu.memref_slice %arg3[%add3A_15] : memref<139264xi32, #tpu.memory_space<hbm>> -> memref<272xi32, #tpu.memory_space<hbm>>
        %dma_wait3A_29 = tpu.memref_slice %arg3[%add3A_15] : memref<139264xi32, #tpu.memory_space<hbm>> -> memref<272xi32, #tpu.memory_space<hbm>>
        tpu.wait_dma2 semaphore(%run_scoped3A : memref<!tpu.dma_semaphore, #tpu.memory_space<semaphore_mem>>) src(%dma_wait3A_29 : memref<272xi32, #tpu.memory_space<hbm>>) dst(%arg6 : memref<272xi32, #tpu.memory_space<vmem>>)
        tpu.yield
      }) : () -> ()
      %dma_start3A_18 = arith.constant 0 : i32
      %dma_start3A_19 = arith.constant 0 : i32
      %dma_start3A_20 = tpu.memref_slice %arg2[%dma_start3A_18, %dma_start3A_19] : memref<8192x128xf32, #tpu.memory_space<hbm>> -> memref<8192x128xf32, #tpu.memory_space<hbm>>
      tpu.enqueue_indirect_dma source(%dma_start3A_20 : memref<8192x128xf32, #tpu.memory_space<hbm>>) target(%arg8 : memref<272x128xf32, #tpu.memory_space<vmem>>) offsets(%arg6 : memref<272xi32, #tpu.memory_space<vmem>>) semaphore(%arg10 : memref<!tpu.dma_semaphore, #tpu.memory_space<semaphore_mem>>)
      %dma_wait3A = arith.constant 0 : i32
      %dma_wait3A_21 = arith.constant 0 : i32
      %dma_wait3A_22 = tpu.memref_slice %arg2[%dma_wait3A, %dma_wait3A_21] : memref<8192x128xf32, #tpu.memory_space<hbm>> -> memref<8192x128xf32, #tpu.memory_space<hbm>>
      tpu.wait_indirect_dma semaphore(%arg9 : memref<!tpu.dma_semaphore, #tpu.memory_space<semaphore_mem>>) src(%dma_wait3A_22 : memref<8192x128xf32, #tpu.memory_space<hbm>>) dst(%arg7 : memref<272x128xf32, #tpu.memory_space<vmem>>)
      "tpu.region"() ({
        %run_scoped3A = tpu.sem_alloc : memref<!tpu.dma_semaphore, #tpu.memory_space<semaphore_mem>>
        %dma_start3A_26 = arith.constant 0 : i32
        %dma_start3A_27 = tpu.memref_slice %arg4[%add3A_13, %dma_start3A_26] : memref<139264x128xf32, #tpu.memory_space<hbm>> -> memref<272x128xf32, #tpu.memory_space<hbm>>
        %dma_start3A_28 = arith.constant 0 : i32
        %dma_start3A_29 = tpu.memref_slice %arg4[%add3A_13, %dma_start3A_28] : memref<139264x128xf32, #tpu.memory_space<hbm>> -> memref<272x128xf32, #tpu.memory_space<hbm>>
        tpu.enqueue_dma source(%arg7 : memref<272x128xf32, #tpu.memory_space<vmem>>) target(%dma_start3A_29 : memref<272x128xf32, #tpu.memory_space<hbm>>) target_semaphore(%run_scoped3A : memref<!tpu.dma_semaphore, #tpu.memory_space<semaphore_mem>>)
        %dma_wait3A_30 = arith.constant 0 : i32
        %dma_wait3A_31 = tpu.memref_slice %arg4[%add3A_13, %dma_wait3A_30] : memref<139264x128xf32, #tpu.memory_space<hbm>> -> memref<272x128xf32, #tpu.memory_space<hbm>>
        %dma_wait3A_32 = arith.constant 0 : i32
        %dma_wait3A_33 = tpu.memref_slice %arg4[%add3A_13, %dma_wait3A_32] : memref<139264x128xf32, #tpu.memory_space<hbm>> -> memref<272x128xf32, #tpu.memory_space<hbm>>
        tpu.wait_dma2 semaphore(%run_scoped3A : memref<!tpu.dma_semaphore, #tpu.memory_space<semaphore_mem>>) src(%arg7 : memref<272x128xf32, #tpu.memory_space<vmem>>) dst(%dma_wait3A_33 : memref<272x128xf32, #tpu.memory_space<hbm>>)
        tpu.yield
      }) : () -> ()
      %dma_wait3A_23 = arith.constant 0 : i32
      %dma_wait3A_24 = arith.constant 0 : i32
      %dma_wait3A_25 = tpu.memref_slice %arg2[%dma_wait3A_23, %dma_wait3A_24] : memref<8192x128xf32, #tpu.memory_space<hbm>> -> memref<8192x128xf32, #tpu.memory_space<hbm>>
      tpu.wait_indirect_dma semaphore(%arg10 : memref<!tpu.dma_semaphore, #tpu.memory_space<semaphore_mem>>) src(%dma_wait3A_25 : memref<8192x128xf32, #tpu.memory_space<hbm>>) dst(%arg8 : memref<272x128xf32, #tpu.memory_space<vmem>>)
      "tpu.region"() ({
        %run_scoped3A = tpu.sem_alloc : memref<!tpu.dma_semaphore, #tpu.memory_space<semaphore_mem>>
        %dma_start3A_26 = arith.constant 0 : i32
        %dma_start3A_27 = tpu.memref_slice %arg4[%add3A_15, %dma_start3A_26] : memref<139264x128xf32, #tpu.memory_space<hbm>> -> memref<272x128xf32, #tpu.memory_space<hbm>>
        %dma_start3A_28 = arith.constant 0 : i32
        %dma_start3A_29 = tpu.memref_slice %arg4[%add3A_15, %dma_start3A_28] : memref<139264x128xf32, #tpu.memory_space<hbm>> -> memref<272x128xf32, #tpu.memory_space<hbm>>
        tpu.enqueue_dma source(%arg8 : memref<272x128xf32, #tpu.memory_space<vmem>>) target(%dma_start3A_29 : memref<272x128xf32, #tpu.memory_space<hbm>>) target_semaphore(%run_scoped3A : memref<!tpu.dma_semaphore, #tpu.memory_space<semaphore_mem>>)
        %dma_wait3A_30 = arith.constant 0 : i32
        %dma_wait3A_31 = tpu.memref_slice %arg4[%add3A_15, %dma_wait3A_30] : memref<139264x128xf32, #tpu.memory_space<hbm>> -> memref<272x128xf32, #tpu.memory_space<hbm>>
        %dma_wait3A_32 = arith.constant 0 : i32
        %dma_wait3A_33 = tpu.memref_slice %arg4[%add3A_15, %dma_wait3A_32] : memref<139264x128xf32, #tpu.memory_space<hbm>> -> memref<272x128xf32, #tpu.memory_space<hbm>>
        tpu.wait_dma2 semaphore(%run_scoped3A : memref<!tpu.dma_semaphore, #tpu.memory_space<semaphore_mem>>) src(%arg8 : memref<272x128xf32, #tpu.memory_space<vmem>>) dst(%dma_wait3A_33 : memref<272x128xf32, #tpu.memory_space<hbm>>)
        tpu.yield
      }) : () -> ()
    }
    %scan3A_7 = arith.constant 8 : i32
    return
  }
}

#map = affine_map<(d0, d1) -> (0, 0)>
#map1 = affine_map<(d0, d1) -> (0)>
module attributes {stable_mosaic.version = 14 : i64} {
  func.func @gather_k(%arg0: i32, %arg1: i32, %arg2: memref<8192x128xf32, #tpu.memory_space<hbm>>, %arg3: memref<139264xi32, #tpu.memory_space<hbm>>, %arg4: memref<139264x128xf32, #tpu.memory_space<hbm>>, %arg5: memref<272xi32, #tpu.memory_space<vmem>>, %arg6: memref<272xi32, #tpu.memory_space<vmem>>, %arg7: memref<272x128xf32, #tpu.memory_space<vmem>>, %arg8: memref<272x128xf32, #tpu.memory_space<vmem>>, %arg9: memref<!tpu.dma_semaphore, #tpu.memory_space<semaphore_mem>>, %arg10: memref<!tpu.dma_semaphore, #tpu.memory_space<semaphore_mem>>) attributes {dimension_semantics = [#tpu.dimension_semantics<core_parallel>, #tpu.dimension_semantics<subcore_parallel>], iteration_bounds = array<i64: 2, 16>, scalar_prefetch = 0 : i64, scratch_operands = 6 : i64, tpu.core_type = #tpu.core_type<sc_vector_subcore>, window_params = [{transform_indices = #map}, {transform_indices = #map1}, {transform_indices = #map}]} {
    %mul3A = arith.constant 2 : i32
    %mul3A_0 = arith.muli %arg1, %mul3A : i32
    %add3A = arith.addi %mul3A_0, %arg0 : i32
    %mul3A_1 = arith.constant 4352 : i32
    %mul3A_2 = arith.muli %add3A, %mul3A_1 : i32
    %scan3A = arith.constant 0 : i32
    %scan3A_3 = arith.constant 0 : i32
    %scan3A_4 = arith.constant 8 : i32
    %scan3A_5 = arith.addi %scan3A_3, %scan3A_4 : i32
    %scan3A_6 = arith.constant 1 : i32
    scf.for %scan3A_8 = %scan3A_3 to %scan3A_5 step %scan3A_6  : i32 {
      %mul3A_9 = arith.constant 2 : i32
      %mul3A_10 = arith.muli %mul3A_9, %scan3A_8 : i32
      %mul3A_11 = arith.constant 272 : i32
      %mul3A_12 = arith.muli %mul3A_10, %mul3A_11 : i32
      %add3A_13 = arith.addi %mul3A_2, %mul3A_12 : i32
      %add3A_14 = arith.constant 272 : i32
      %add3A_15 = arith.addi %add3A_13, %add3A_14 : i32
      "tpu.region"() ({
        %run_scoped3A = tpu.sem_alloc : memref<!tpu.dma_semaphore, #tpu.memory_space<semaphore_mem>>
        %dma_start3A_26 = tpu.memref_slice %arg3[%add3A_13] : memref<139264xi32, #tpu.memory_space<hbm>> -> memref<272xi32, #tpu.memory_space<hbm>>
        %dma_start3A_27 = tpu.memref_slice %arg3[%add3A_13] : memref<139264xi32, #tpu.memory_space<hbm>> -> memref<272xi32, #tpu.memory_space<hbm>>
        tpu.enqueue_dma source(%dma_start3A_27 : memref<272xi32, #tpu.memory_space<hbm>>) target(%arg5 : memref<272xi32, #tpu.memory_space<vmem>>) target_semaphore(%run_scoped3A : memref<!tpu.dma_semaphore, #tpu.memory_space<semaphore_mem>>)
        %dma_wait3A_28 = tpu.memref_slice %arg3[%add3A_13] : memref<139264xi32, #tpu.memory_space<hbm>> -> memref<272xi32, #tpu.memory_space<hbm>>
        %dma_wait3A_29 = tpu.memref_slice %arg3[%add3A_13] : memref<139264xi32, #tpu.memory_space<hbm>> -> memref<272xi32, #tpu.memory_space<hbm>>
        tpu.wait_dma2 semaphore(%run_scoped3A : memref<!tpu.dma_semaphore, #tpu.memory_space<semaphore_mem>>) src(%dma_wait3A_29 : memref<272xi32, #tpu.memory_space<hbm>>) dst(%arg5 : memref<272xi32, #tpu.memory_space<vmem>>)
        tpu.yield
      }) : () -> ()
      %dma_start3A = arith.constant 0 : i32
      %dma_start3A_16 = arith.constant 0 : i32
      %dma_start3A_17 = tpu.memref_slice %arg2[%dma_start3A, %dma_start3A_16] : memref<8192x128xf32, #tpu.memory_space<hbm>> -> memref<8192x128xf32, #tpu.memory_space<hbm>>
      tpu.enqueue_indirect_dma source(%dma_start3A_17 : memref<8192x128xf32, #tpu.memory_space<hbm>>) target(%arg7 : memref<272x128xf32, #tpu.memory_space<vmem>>) offsets(%arg5 : memref<272xi32, #tpu.memory_space<vmem>>) semaphore(%arg9 : memref<!tpu.dma_semaphore, #tpu.memory_space<semaphore_mem>>)
      "tpu.region"() ({
        %run_scoped3A = tpu.sem_alloc : memref<!tpu.dma_semaphore, #tpu.memory_space<semaphore_mem>>
        %dma_start3A_26 = tpu.memref_slice %arg3[%add3A_15] : memref<139264xi32, #tpu.memory_space<hbm>> -> memref<272xi32, #tpu.memory_space<hbm>>
        %dma_start3A_27 = tpu.memref_slice %arg3[%add3A_15] : memref<139264xi32, #tpu.memory_space<hbm>> -> memref<272xi32, #tpu.memory_space<hbm>>
        tpu.enqueue_dma source(%dma_start3A_27 : memref<272xi32, #tpu.memory_space<hbm>>) target(%arg6 : memref<272xi32, #tpu.memory_space<vmem>>) target_semaphore(%run_scoped3A : memref<!tpu.dma_semaphore, #tpu.memory_space<semaphore_mem>>)
        %dma_wait3A_28 = tpu.memref_slice %arg3[%add3A_15] : memref<139264xi32, #tpu.memory_space<hbm>> -> memref<272xi32, #tpu.memory_space<hbm>>
        %dma_wait3A_29 = tpu.memref_slice %arg3[%add3A_15] : memref<139264xi32, #tpu.memory_space<hbm>> -> memref<272xi32, #tpu.memory_space<hbm>>
        tpu.wait_dma2 semaphore(%run_scoped3A : memref<!tpu.dma_semaphore, #tpu.memory_space<semaphore_mem>>) src(%dma_wait3A_29 : memref<272xi32, #tpu.memory_space<hbm>>) dst(%arg6 : memref<272xi32, #tpu.memory_space<vmem>>)
        tpu.yield
      }) : () -> ()
      %dma_start3A_18 = arith.constant 0 : i32
      %dma_start3A_19 = arith.constant 0 : i32
      %dma_start3A_20 = tpu.memref_slice %arg2[%dma_start3A_18, %dma_start3A_19] : memref<8192x128xf32, #tpu.memory_space<hbm>> -> memref<8192x128xf32, #tpu.memory_space<hbm>>
      tpu.enqueue_indirect_dma source(%dma_start3A_20 : memref<8192x128xf32, #tpu.memory_space<hbm>>) target(%arg8 : memref<272x128xf32, #tpu.memory_space<vmem>>) offsets(%arg6 : memref<272xi32, #tpu.memory_space<vmem>>) semaphore(%arg10 : memref<!tpu.dma_semaphore, #tpu.memory_space<semaphore_mem>>)
      %dma_wait3A = arith.constant 0 : i32
      %dma_wait3A_21 = arith.constant 0 : i32
      %dma_wait3A_22 = tpu.memref_slice %arg2[%dma_wait3A, %dma_wait3A_21] : memref<8192x128xf32, #tpu.memory_space<hbm>> -> memref<8192x128xf32, #tpu.memory_space<hbm>>
      tpu.wait_indirect_dma semaphore(%arg9 : memref<!tpu.dma_semaphore, #tpu.memory_space<semaphore_mem>>) src(%dma_wait3A_22 : memref<8192x128xf32, #tpu.memory_space<hbm>>) dst(%arg7 : memref<272x128xf32, #tpu.memory_space<vmem>>)
      "tpu.region"() ({
        %run_scoped3A = tpu.sem_alloc : memref<!tpu.dma_semaphore, #tpu.memory_space<semaphore_mem>>
        %dma_start3A_26 = arith.constant 0 : i32
        %dma_start3A_27 = tpu.memref_slice %arg4[%add3A_13, %dma_start3A_26] : memref<139264x128xf32, #tpu.memory_space<hbm>> -> memref<272x128xf32, #tpu.memory_space<hbm>>
        %dma_start3A_28 = arith.constant 0 : i32
        %dma_start3A_29 = tpu.memref_slice %arg4[%add3A_13, %dma_start3A_28] : memref<139264x128xf32, #tpu.memory_space<hbm>> -> memref<272x128xf32, #tpu.memory_space<hbm>>
        tpu.enqueue_dma source(%arg7 : memref<272x128xf32, #tpu.memory_space<vmem>>) target(%dma_start3A_29 : memref<272x128xf32, #tpu.memory_space<hbm>>) target_semaphore(%run_scoped3A : memref<!tpu.dma_semaphore, #tpu.memory_space<semaphore_mem>>)
        %dma_wait3A_30 = arith.constant 0 : i32
        %dma_wait3A_31 = tpu.memref_slice %arg4[%add3A_13, %dma_wait3A_30] : memref<139264x128xf32, #tpu.memory_space<hbm>> -> memref<272x128xf32, #tpu.memory_space<hbm>>
        %dma_wait3A_32 = arith.constant 0 : i32
        %dma_wait3A_33 = tpu.memref_slice %arg4[%add3A_13, %dma_wait3A_32] : memref<139264x128xf32, #tpu.memory_space<hbm>> -> memref<272x128xf32, #tpu.memory_space<hbm>>
        tpu.wait_dma2 semaphore(%run_scoped3A : memref<!tpu.dma_semaphore, #tpu.memory_space<semaphore_mem>>) src(%arg7 : memref<272x128xf32, #tpu.memory_space<vmem>>) dst(%dma_wait3A_33 : memref<272x128xf32, #tpu.memory_space<hbm>>)
        tpu.yield
      }) : () -> ()
      %dma_wait3A_23 = arith.constant 0 : i32
      %dma_wait3A_24 = arith.constant 0 : i32
      %dma_wait3A_25 = tpu.memref_slice %arg2[%dma_wait3A_23, %dma_wait3A_24] : memref<8192x128xf32, #tpu.memory_space<hbm>> -> memref<8192x128xf32, #tpu.memory_space<hbm>>
      tpu.wait_indirect_dma semaphore(%arg10 : memref<!tpu.dma_semaphore, #tpu.memory_space<semaphore_mem>>) src(%dma_wait3A_25 : memref<8192x128xf32, #tpu.memory_space<hbm>>) dst(%arg8 : memref<272x128xf32, #tpu.memory_space<vmem>>)
      "tpu.region"() ({
        %run_scoped3A = tpu.sem_alloc : memref<!tpu.dma_semaphore, #tpu.memory_space<semaphore_mem>>
        %dma_start3A_26 = arith.constant 0 : i32
        %dma_start3A_27 = tpu.memref_slice %arg4[%add3A_15, %dma_start3A_26] : memref<139264x128xf32, #tpu.memory_space<hbm>> -> memref<272x128xf32, #tpu.memory_space<hbm>>
        %dma_start3A_28 = arith.constant 0 : i32
        %dma_start3A_29 = tpu.memref_slice %arg4[%add3A_15, %dma_start3A_28] : memref<139264x128xf32, #tpu.memory_space<hbm>> -> memref<272x128xf32, #tpu.memory_space<hbm>>
        tpu.enqueue_dma source(%arg8 : memref<272x128xf32, #tpu.memory_space<vmem>>) target(%dma_start3A_29 : memref<272x128xf32, #tpu.memory_space<hbm>>) target_semaphore(%run_scoped3A : memref<!tpu.dma_semaphore, #tpu.memory_space<semaphore_mem>>)
        %dma_wait3A_30 = arith.constant 0 : i32
        %dma_wait3A_31 = tpu.memref_slice %arg4[%add3A_15, %dma_wait3A_30] : memref<139264x128xf32, #tpu.memory_space<hbm>> -> memref<272x128xf32, #tpu.memory_space<hbm>>
        %dma_wait3A_32 = arith.constant 0 : i32
        %dma_wait3A_33 = tpu.memref_slice %arg4[%add3A_15, %dma_wait3A_32] : memref<139264x128xf32, #tpu.memory_space<hbm>> -> memref<272x128xf32, #tpu.memory_space<hbm>>
        tpu.wait_dma2 semaphore(%run_scoped3A : memref<!tpu.dma_semaphore, #tpu.memory_space<semaphore_mem>>) src(%arg8 : memref<272x128xf32, #tpu.memory_space<vmem>>) dst(%dma_wait3A_33 : memref<272x128xf32, #tpu.memory_space<hbm>>)
        tpu.yield
      }) : () -> ()
    }
    %scan3A_7 = arith.constant 8 : i32
    return
  }
}

#map = affine_map<(d0, d1) -> (0, 0)>
#map1 = affine_map<(d0, d1) -> (0)>
module attributes {stable_mosaic.version = 14 : i64} {
  func.func @gather_k(%arg0: i32, %arg1: i32, %arg2: memref<8192x128xf32, #tpu.memory_space<hbm>>, %arg3: memref<139264xi32, #tpu.memory_space<hbm>>, %arg4: memref<139264x128xf32, #tpu.memory_space<hbm>>, %arg5: memref<272xi32, #tpu.memory_space<vmem>>, %arg6: memref<272xi32, #tpu.memory_space<vmem>>, %arg7: memref<272x128xf32, #tpu.memory_space<vmem>>, %arg8: memref<272x128xf32, #tpu.memory_space<vmem>>, %arg9: memref<!tpu.dma_semaphore, #tpu.memory_space<semaphore_mem>>, %arg10: memref<!tpu.dma_semaphore, #tpu.memory_space<semaphore_mem>>) attributes {dimension_semantics = [#tpu.dimension_semantics<core_parallel>, #tpu.dimension_semantics<subcore_parallel>], iteration_bounds = array<i64: 2, 16>, scalar_prefetch = 0 : i64, scratch_operands = 6 : i64, tpu.core_type = #tpu.core_type<sc_vector_subcore>, window_params = [{transform_indices = #map}, {transform_indices = #map1}, {transform_indices = #map}]} {
    %mul3A = arith.constant 2 : i32
    %mul3A_0 = arith.muli %arg1, %mul3A : i32
    %add3A = arith.addi %mul3A_0, %arg0 : i32
    %mul3A_1 = arith.constant 4352 : i32
    %mul3A_2 = arith.muli %add3A, %mul3A_1 : i32
    %scan3A = arith.constant 0 : i32
    %scan3A_3 = arith.constant 0 : i32
    %scan3A_4 = arith.constant 8 : i32
    %scan3A_5 = arith.addi %scan3A_3, %scan3A_4 : i32
    %scan3A_6 = arith.constant 1 : i32
    scf.for %scan3A_8 = %scan3A_3 to %scan3A_5 step %scan3A_6  : i32 {
      %mul3A_9 = arith.constant 2 : i32
      %mul3A_10 = arith.muli %mul3A_9, %scan3A_8 : i32
      %mul3A_11 = arith.constant 272 : i32
      %mul3A_12 = arith.muli %mul3A_10, %mul3A_11 : i32
      %add3A_13 = arith.addi %mul3A_2, %mul3A_12 : i32
      %add3A_14 = arith.constant 272 : i32
      %add3A_15 = arith.addi %add3A_13, %add3A_14 : i32
      "tpu.region"() ({
        %run_scoped3A = tpu.sem_alloc : memref<!tpu.dma_semaphore, #tpu.memory_space<semaphore_mem>>
        %dma_start3A_26 = tpu.memref_slice %arg3[%add3A_13] : memref<139264xi32, #tpu.memory_space<hbm>> -> memref<272xi32, #tpu.memory_space<hbm>>
        %dma_start3A_27 = tpu.memref_slice %arg3[%add3A_13] : memref<139264xi32, #tpu.memory_space<hbm>> -> memref<272xi32, #tpu.memory_space<hbm>>
        tpu.enqueue_dma source(%dma_start3A_27 : memref<272xi32, #tpu.memory_space<hbm>>) target(%arg5 : memref<272xi32, #tpu.memory_space<vmem>>) target_semaphore(%run_scoped3A : memref<!tpu.dma_semaphore, #tpu.memory_space<semaphore_mem>>)
        %dma_wait3A_28 = tpu.memref_slice %arg3[%add3A_13] : memref<139264xi32, #tpu.memory_space<hbm>> -> memref<272xi32, #tpu.memory_space<hbm>>
        %dma_wait3A_29 = tpu.memref_slice %arg3[%add3A_13] : memref<139264xi32, #tpu.memory_space<hbm>> -> memref<272xi32, #tpu.memory_space<hbm>>
        tpu.wait_dma2 semaphore(%run_scoped3A : memref<!tpu.dma_semaphore, #tpu.memory_space<semaphore_mem>>) src(%dma_wait3A_29 : memref<272xi32, #tpu.memory_space<hbm>>) dst(%arg5 : memref<272xi32, #tpu.memory_space<vmem>>)
        tpu.yield
      }) : () -> ()
      %dma_start3A = arith.constant 0 : i32
      %dma_start3A_16 = arith.constant 0 : i32
      %dma_start3A_17 = tpu.memref_slice %arg2[%dma_start3A, %dma_start3A_16] : memref<8192x128xf32, #tpu.memory_space<hbm>> -> memref<8192x128xf32, #tpu.memory_space<hbm>>
      tpu.enqueue_indirect_dma source(%dma_start3A_17 : memref<8192x128xf32, #tpu.memory_space<hbm>>) target(%arg7 : memref<272x128xf32, #tpu.memory_space<vmem>>) offsets(%arg5 : memref<272xi32, #tpu.memory_space<vmem>>) semaphore(%arg9 : memref<!tpu.dma_semaphore, #tpu.memory_space<semaphore_mem>>)
      "tpu.region"() ({
        %run_scoped3A = tpu.sem_alloc : memref<!tpu.dma_semaphore, #tpu.memory_space<semaphore_mem>>
        %dma_start3A_26 = tpu.memref_slice %arg3[%add3A_15] : memref<139264xi32, #tpu.memory_space<hbm>> -> memref<272xi32, #tpu.memory_space<hbm>>
        %dma_start3A_27 = tpu.memref_slice %arg3[%add3A_15] : memref<139264xi32, #tpu.memory_space<hbm>> -> memref<272xi32, #tpu.memory_space<hbm>>
        tpu.enqueue_dma source(%dma_start3A_27 : memref<272xi32, #tpu.memory_space<hbm>>) target(%arg6 : memref<272xi32, #tpu.memory_space<vmem>>) target_semaphore(%run_scoped3A : memref<!tpu.dma_semaphore, #tpu.memory_space<semaphore_mem>>)
        %dma_wait3A_28 = tpu.memref_slice %arg3[%add3A_15] : memref<139264xi32, #tpu.memory_space<hbm>> -> memref<272xi32, #tpu.memory_space<hbm>>
        %dma_wait3A_29 = tpu.memref_slice %arg3[%add3A_15] : memref<139264xi32, #tpu.memory_space<hbm>> -> memref<272xi32, #tpu.memory_space<hbm>>
        tpu.wait_dma2 semaphore(%run_scoped3A : memref<!tpu.dma_semaphore, #tpu.memory_space<semaphore_mem>>) src(%dma_wait3A_29 : memref<272xi32, #tpu.memory_space<hbm>>) dst(%arg6 : memref<272xi32, #tpu.memory_space<vmem>>)
        tpu.yield
      }) : () -> ()
      %dma_start3A_18 = arith.constant 0 : i32
      %dma_start3A_19 = arith.constant 0 : i32
      %dma_start3A_20 = tpu.memref_slice %arg2[%dma_start3A_18, %dma_start3A_19] : memref<8192x128xf32, #tpu.memory_space<hbm>> -> memref<8192x128xf32, #tpu.memory_space<hbm>>
      tpu.enqueue_indirect_dma source(%dma_start3A_20 : memref<8192x128xf32, #tpu.memory_space<hbm>>) target(%arg8 : memref<272x128xf32, #tpu.memory_space<vmem>>) offsets(%arg6 : memref<272xi32, #tpu.memory_space<vmem>>) semaphore(%arg10 : memref<!tpu.dma_semaphore, #tpu.memory_space<semaphore_mem>>)
      %dma_wait3A = arith.constant 0 : i32
      %dma_wait3A_21 = arith.constant 0 : i32
      %dma_wait3A_22 = tpu.memref_slice %arg2[%dma_wait3A, %dma_wait3A_21] : memref<8192x128xf32, #tpu.memory_space<hbm>> -> memref<8192x128xf32, #tpu.memory_space<hbm>>
      tpu.wait_indirect_dma semaphore(%arg9 : memref<!tpu.dma_semaphore, #tpu.memory_space<semaphore_mem>>) src(%dma_wait3A_22 : memref<8192x128xf32, #tpu.memory_space<hbm>>) dst(%arg7 : memref<272x128xf32, #tpu.memory_space<vmem>>)
      "tpu.region"() ({
        %run_scoped3A = tpu.sem_alloc : memref<!tpu.dma_semaphore, #tpu.memory_space<semaphore_mem>>
        %dma_start3A_26 = arith.constant 0 : i32
        %dma_start3A_27 = tpu.memref_slice %arg4[%add3A_13, %dma_start3A_26] : memref<139264x128xf32, #tpu.memory_space<hbm>> -> memref<272x128xf32, #tpu.memory_space<hbm>>
        %dma_start3A_28 = arith.constant 0 : i32
        %dma_start3A_29 = tpu.memref_slice %arg4[%add3A_13, %dma_start3A_28] : memref<139264x128xf32, #tpu.memory_space<hbm>> -> memref<272x128xf32, #tpu.memory_space<hbm>>
        tpu.enqueue_dma source(%arg7 : memref<272x128xf32, #tpu.memory_space<vmem>>) target(%dma_start3A_29 : memref<272x128xf32, #tpu.memory_space<hbm>>) target_semaphore(%run_scoped3A : memref<!tpu.dma_semaphore, #tpu.memory_space<semaphore_mem>>)
        %dma_wait3A_30 = arith.constant 0 : i32
        %dma_wait3A_31 = tpu.memref_slice %arg4[%add3A_13, %dma_wait3A_30] : memref<139264x128xf32, #tpu.memory_space<hbm>> -> memref<272x128xf32, #tpu.memory_space<hbm>>
        %dma_wait3A_32 = arith.constant 0 : i32
        %dma_wait3A_33 = tpu.memref_slice %arg4[%add3A_13, %dma_wait3A_32] : memref<139264x128xf32, #tpu.memory_space<hbm>> -> memref<272x128xf32, #tpu.memory_space<hbm>>
        tpu.wait_dma2 semaphore(%run_scoped3A : memref<!tpu.dma_semaphore, #tpu.memory_space<semaphore_mem>>) src(%arg7 : memref<272x128xf32, #tpu.memory_space<vmem>>) dst(%dma_wait3A_33 : memref<272x128xf32, #tpu.memory_space<hbm>>)
        tpu.yield
      }) : () -> ()
      %dma_wait3A_23 = arith.constant 0 : i32
      %dma_wait3A_24 = arith.constant 0 : i32
      %dma_wait3A_25 = tpu.memref_slice %arg2[%dma_wait3A_23, %dma_wait3A_24] : memref<8192x128xf32, #tpu.memory_space<hbm>> -> memref<8192x128xf32, #tpu.memory_space<hbm>>
      tpu.wait_indirect_dma semaphore(%arg10 : memref<!tpu.dma_semaphore, #tpu.memory_space<semaphore_mem>>) src(%dma_wait3A_25 : memref<8192x128xf32, #tpu.memory_space<hbm>>) dst(%arg8 : memref<272x128xf32, #tpu.memory_space<vmem>>)
      "tpu.region"() ({
        %run_scoped3A = tpu.sem_alloc : memref<!tpu.dma_semaphore, #tpu.memory_space<semaphore_mem>>
        %dma_start3A_26 = arith.constant 0 : i32
        %dma_start3A_27 = tpu.memref_slice %arg4[%add3A_15, %dma_start3A_26] : memref<139264x128xf32, #tpu.memory_space<hbm>> -> memref<272x128xf32, #tpu.memory_space<hbm>>
        %dma_start3A_28 = arith.constant 0 : i32
        %dma_start3A_29 = tpu.memref_slice %arg4[%add3A_15, %dma_start3A_28] : memref<139264x128xf32, #tpu.memory_space<hbm>> -> memref<272x128xf32, #tpu.memory_space<hbm>>
        tpu.enqueue_dma source(%arg8 : memref<272x128xf32, #tpu.memory_space<vmem>>) target(%dma_start3A_29 : memref<272x128xf32, #tpu.memory_space<hbm>>) target_semaphore(%run_scoped3A : memref<!tpu.dma_semaphore, #tpu.memory_space<semaphore_mem>>)
        %dma_wait3A_30 = arith.constant 0 : i32
        %dma_wait3A_31 = tpu.memref_slice %arg4[%add3A_15, %dma_wait3A_30] : memref<139264x128xf32, #tpu.memory_space<hbm>> -> memref<272x128xf32, #tpu.memory_space<hbm>>
        %dma_wait3A_32 = arith.constant 0 : i32
        %dma_wait3A_33 = tpu.memref_slice %arg4[%add3A_15, %dma_wait3A_32] : memref<139264x128xf32, #tpu.memory_space<hbm>> -> memref<272x128xf32, #tpu.memory_space<hbm>>
        tpu.wait_dma2 semaphore(%run_scoped3A : memref<!tpu.dma_semaphore, #tpu.memory_space<semaphore_mem>>) src(%arg8 : memref<272x128xf32, #tpu.memory_space<vmem>>) dst(%dma_wait3A_33 : memref<272x128xf32, #tpu.memory_space<hbm>>)
        tpu.yield
      }) : () -> ()
    }
    %scan3A_7 = arith.constant 8 : i32
    return
  }
}

#map = affine_map<(d0, d1) -> (0, 0)>
#map1 = affine_map<(d0, d1) -> (0)>
module attributes {stable_mosaic.version = 14 : i64} {
  func.func @gather_k(%arg0: i32, %arg1: i32, %arg2: memref<8192x128xf32, #tpu.memory_space<hbm>>, %arg3: memref<139264xi32, #tpu.memory_space<hbm>>, %arg4: memref<139264x128xf32, #tpu.memory_space<hbm>>, %arg5: memref<272xi32, #tpu.memory_space<vmem>>, %arg6: memref<272xi32, #tpu.memory_space<vmem>>, %arg7: memref<272x128xf32, #tpu.memory_space<vmem>>, %arg8: memref<272x128xf32, #tpu.memory_space<vmem>>, %arg9: memref<!tpu.dma_semaphore, #tpu.memory_space<semaphore_mem>>, %arg10: memref<!tpu.dma_semaphore, #tpu.memory_space<semaphore_mem>>) attributes {dimension_semantics = [#tpu.dimension_semantics<core_parallel>, #tpu.dimension_semantics<subcore_parallel>], iteration_bounds = array<i64: 2, 16>, scalar_prefetch = 0 : i64, scratch_operands = 6 : i64, tpu.core_type = #tpu.core_type<sc_vector_subcore>, window_params = [{transform_indices = #map}, {transform_indices = #map1}, {transform_indices = #map}]} {
    %mul3A = arith.constant 2 : i32
    %mul3A_0 = arith.muli %arg1, %mul3A : i32
    %add3A = arith.addi %mul3A_0, %arg0 : i32
    %mul3A_1 = arith.constant 4352 : i32
    %mul3A_2 = arith.muli %add3A, %mul3A_1 : i32
    %scan3A = arith.constant 0 : i32
    %scan3A_3 = arith.constant 0 : i32
    %scan3A_4 = arith.constant 8 : i32
    %scan3A_5 = arith.addi %scan3A_3, %scan3A_4 : i32
    %scan3A_6 = arith.constant 1 : i32
    scf.for %scan3A_8 = %scan3A_3 to %scan3A_5 step %scan3A_6  : i32 {
      %mul3A_9 = arith.constant 2 : i32
      %mul3A_10 = arith.muli %mul3A_9, %scan3A_8 : i32
      %mul3A_11 = arith.constant 272 : i32
      %mul3A_12 = arith.muli %mul3A_10, %mul3A_11 : i32
      %add3A_13 = arith.addi %mul3A_2, %mul3A_12 : i32
      %add3A_14 = arith.constant 272 : i32
      %add3A_15 = arith.addi %add3A_13, %add3A_14 : i32
      "tpu.region"() ({
        %run_scoped3A = tpu.sem_alloc : memref<!tpu.dma_semaphore, #tpu.memory_space<semaphore_mem>>
        %dma_start3A_26 = tpu.memref_slice %arg3[%add3A_13] : memref<139264xi32, #tpu.memory_space<hbm>> -> memref<272xi32, #tpu.memory_space<hbm>>
        %dma_start3A_27 = tpu.memref_slice %arg3[%add3A_13] : memref<139264xi32, #tpu.memory_space<hbm>> -> memref<272xi32, #tpu.memory_space<hbm>>
        tpu.enqueue_dma source(%dma_start3A_27 : memref<272xi32, #tpu.memory_space<hbm>>) target(%arg5 : memref<272xi32, #tpu.memory_space<vmem>>) target_semaphore(%run_scoped3A : memref<!tpu.dma_semaphore, #tpu.memory_space<semaphore_mem>>)
        %dma_wait3A_28 = tpu.memref_slice %arg3[%add3A_13] : memref<139264xi32, #tpu.memory_space<hbm>> -> memref<272xi32, #tpu.memory_space<hbm>>
        %dma_wait3A_29 = tpu.memref_slice %arg3[%add3A_13] : memref<139264xi32, #tpu.memory_space<hbm>> -> memref<272xi32, #tpu.memory_space<hbm>>
        tpu.wait_dma2 semaphore(%run_scoped3A : memref<!tpu.dma_semaphore, #tpu.memory_space<semaphore_mem>>) src(%dma_wait3A_29 : memref<272xi32, #tpu.memory_space<hbm>>) dst(%arg5 : memref<272xi32, #tpu.memory_space<vmem>>)
        tpu.yield
      }) : () -> ()
      %dma_start3A = arith.constant 0 : i32
      %dma_start3A_16 = arith.constant 0 : i32
      %dma_start3A_17 = tpu.memref_slice %arg2[%dma_start3A, %dma_start3A_16] : memref<8192x128xf32, #tpu.memory_space<hbm>> -> memref<8192x128xf32, #tpu.memory_space<hbm>>
      tpu.enqueue_indirect_dma source(%dma_start3A_17 : memref<8192x128xf32, #tpu.memory_space<hbm>>) target(%arg7 : memref<272x128xf32, #tpu.memory_space<vmem>>) offsets(%arg5 : memref<272xi32, #tpu.memory_space<vmem>>) semaphore(%arg9 : memref<!tpu.dma_semaphore, #tpu.memory_space<semaphore_mem>>)
      "tpu.region"() ({
        %run_scoped3A = tpu.sem_alloc : memref<!tpu.dma_semaphore, #tpu.memory_space<semaphore_mem>>
        %dma_start3A_26 = tpu.memref_slice %arg3[%add3A_15] : memref<139264xi32, #tpu.memory_space<hbm>> -> memref<272xi32, #tpu.memory_space<hbm>>
        %dma_start3A_27 = tpu.memref_slice %arg3[%add3A_15] : memref<139264xi32, #tpu.memory_space<hbm>> -> memref<272xi32, #tpu.memory_space<hbm>>
        tpu.enqueue_dma source(%dma_start3A_27 : memref<272xi32, #tpu.memory_space<hbm>>) target(%arg6 : memref<272xi32, #tpu.memory_space<vmem>>) target_semaphore(%run_scoped3A : memref<!tpu.dma_semaphore, #tpu.memory_space<semaphore_mem>>)
        %dma_wait3A_28 = tpu.memref_slice %arg3[%add3A_15] : memref<139264xi32, #tpu.memory_space<hbm>> -> memref<272xi32, #tpu.memory_space<hbm>>
        %dma_wait3A_29 = tpu.memref_slice %arg3[%add3A_15] : memref<139264xi32, #tpu.memory_space<hbm>> -> memref<272xi32, #tpu.memory_space<hbm>>
        tpu.wait_dma2 semaphore(%run_scoped3A : memref<!tpu.dma_semaphore, #tpu.memory_space<semaphore_mem>>) src(%dma_wait3A_29 : memref<272xi32, #tpu.memory_space<hbm>>) dst(%arg6 : memref<272xi32, #tpu.memory_space<vmem>>)
        tpu.yield
      }) : () -> ()
      %dma_start3A_18 = arith.constant 0 : i32
      %dma_start3A_19 = arith.constant 0 : i32
      %dma_start3A_20 = tpu.memref_slice %arg2[%dma_start3A_18, %dma_start3A_19] : memref<8192x128xf32, #tpu.memory_space<hbm>> -> memref<8192x128xf32, #tpu.memory_space<hbm>>
      tpu.enqueue_indirect_dma source(%dma_start3A_20 : memref<8192x128xf32, #tpu.memory_space<hbm>>) target(%arg8 : memref<272x128xf32, #tpu.memory_space<vmem>>) offsets(%arg6 : memref<272xi32, #tpu.memory_space<vmem>>) semaphore(%arg10 : memref<!tpu.dma_semaphore, #tpu.memory_space<semaphore_mem>>)
      %dma_wait3A = arith.constant 0 : i32
      %dma_wait3A_21 = arith.constant 0 : i32
      %dma_wait3A_22 = tpu.memref_slice %arg2[%dma_wait3A, %dma_wait3A_21] : memref<8192x128xf32, #tpu.memory_space<hbm>> -> memref<8192x128xf32, #tpu.memory_space<hbm>>
      tpu.wait_indirect_dma semaphore(%arg9 : memref<!tpu.dma_semaphore, #tpu.memory_space<semaphore_mem>>) src(%dma_wait3A_22 : memref<8192x128xf32, #tpu.memory_space<hbm>>) dst(%arg7 : memref<272x128xf32, #tpu.memory_space<vmem>>)
      "tpu.region"() ({
        %run_scoped3A = tpu.sem_alloc : memref<!tpu.dma_semaphore, #tpu.memory_space<semaphore_mem>>
        %dma_start3A_26 = arith.constant 0 : i32
        %dma_start3A_27 = tpu.memref_slice %arg4[%add3A_13, %dma_start3A_26] : memref<139264x128xf32, #tpu.memory_space<hbm>> -> memref<272x128xf32, #tpu.memory_space<hbm>>
        %dma_start3A_28 = arith.constant 0 : i32
        %dma_start3A_29 = tpu.memref_slice %arg4[%add3A_13, %dma_start3A_28] : memref<139264x128xf32, #tpu.memory_space<hbm>> -> memref<272x128xf32, #tpu.memory_space<hbm>>
        tpu.enqueue_dma source(%arg7 : memref<272x128xf32, #tpu.memory_space<vmem>>) target(%dma_start3A_29 : memref<272x128xf32, #tpu.memory_space<hbm>>) target_semaphore(%run_scoped3A : memref<!tpu.dma_semaphore, #tpu.memory_space<semaphore_mem>>)
        %dma_wait3A_30 = arith.constant 0 : i32
        %dma_wait3A_31 = tpu.memref_slice %arg4[%add3A_13, %dma_wait3A_30] : memref<139264x128xf32, #tpu.memory_space<hbm>> -> memref<272x128xf32, #tpu.memory_space<hbm>>
        %dma_wait3A_32 = arith.constant 0 : i32
        %dma_wait3A_33 = tpu.memref_slice %arg4[%add3A_13, %dma_wait3A_32] : memref<139264x128xf32, #tpu.memory_space<hbm>> -> memref<272x128xf32, #tpu.memory_space<hbm>>
        tpu.wait_dma2 semaphore(%run_scoped3A : memref<!tpu.dma_semaphore, #tpu.memory_space<semaphore_mem>>) src(%arg7 : memref<272x128xf32, #tpu.memory_space<vmem>>) dst(%dma_wait3A_33 : memref<272x128xf32, #tpu.memory_space<hbm>>)
        tpu.yield
      }) : () -> ()
      %dma_wait3A_23 = arith.constant 0 : i32
      %dma_wait3A_24 = arith.constant 0 : i32
      %dma_wait3A_25 = tpu.memref_slice %arg2[%dma_wait3A_23, %dma_wait3A_24] : memref<8192x128xf32, #tpu.memory_space<hbm>> -> memref<8192x128xf32, #tpu.memory_space<hbm>>
      tpu.wait_indirect_dma semaphore(%arg10 : memref<!tpu.dma_semaphore, #tpu.memory_space<semaphore_mem>>) src(%dma_wait3A_25 : memref<8192x128xf32, #tpu.memory_space<hbm>>) dst(%arg8 : memref<272x128xf32, #tpu.memory_space<vmem>>)
      "tpu.region"() ({
        %run_scoped3A = tpu.sem_alloc : memref<!tpu.dma_semaphore, #tpu.memory_space<semaphore_mem>>
        %dma_start3A_26 = arith.constant 0 : i32
        %dma_start3A_27 = tpu.memref_slice %arg4[%add3A_15, %dma_start3A_26] : memref<139264x128xf32, #tpu.memory_space<hbm>> -> memref<272x128xf32, #tpu.memory_space<hbm>>
        %dma_start3A_28 = arith.constant 0 : i32
        %dma_start3A_29 = tpu.memref_slice %arg4[%add3A_15, %dma_start3A_28] : memref<139264x128xf32, #tpu.memory_space<hbm>> -> memref<272x128xf32, #tpu.memory_space<hbm>>
        tpu.enqueue_dma source(%arg8 : memref<272x128xf32, #tpu.memory_space<vmem>>) target(%dma_start3A_29 : memref<272x128xf32, #tpu.memory_space<hbm>>) target_semaphore(%run_scoped3A : memref<!tpu.dma_semaphore, #tpu.memory_space<semaphore_mem>>)
        %dma_wait3A_30 = arith.constant 0 : i32
        %dma_wait3A_31 = tpu.memref_slice %arg4[%add3A_15, %dma_wait3A_30] : memref<139264x128xf32, #tpu.memory_space<hbm>> -> memref<272x128xf32, #tpu.memory_space<hbm>>
        %dma_wait3A_32 = arith.constant 0 : i32
        %dma_wait3A_33 = tpu.memref_slice %arg4[%add3A_15, %dma_wait3A_32] : memref<139264x128xf32, #tpu.memory_space<hbm>> -> memref<272x128xf32, #tpu.memory_space<hbm>>
        tpu.wait_dma2 semaphore(%run_scoped3A : memref<!tpu.dma_semaphore, #tpu.memory_space<semaphore_mem>>) src(%arg8 : memref<272x128xf32, #tpu.memory_space<vmem>>) dst(%dma_wait3A_33 : memref<272x128xf32, #tpu.memory_space<hbm>>)
        tpu.yield
      }) : () -> ()
    }
    %scan3A_7 = arith.constant 8 : i32
    return
  }
}

module attributes {stable_mosaic.version = 14 : i64} {
  func.func @_knn_mlp_body(%arg0: i32, %arg1: i32, %arg2: memref<1x1024x8xf32, #tpu.memory_space<vmem>>, %arg3: memref<1x1x8x4096xf32, #tpu.memory_space<vmem>>, %arg4: memref<8x128xf32, #tpu.memory_space<vmem>>, %arg5: memref<1x128xf32, #tpu.memory_space<vmem>>, %arg6: memref<128x128xf32, #tpu.memory_space<vmem>>, %arg7: memref<1x128xf32, #tpu.memory_space<vmem>>, %arg8: memref<1x1024x16xi32, #tpu.memory_space<vmem>>, %arg9: memref<1x1024x128xf32, #tpu.memory_space<vmem>>, %arg10: memref<1x1024x4096xf32, #tpu.memory_space<vmem>>) attributes {dimension_semantics = [#tpu.dimension_semantics<arbitrary>, #tpu.dimension_semantics<arbitrary>], iteration_bounds = array<i64: 2, 4>, scalar_prefetch = 0 : i64, scratch_operands = 1 : i64, tpu.core_type = #tpu.core_type<tc>, window_params = [{transform_indices = @transform_0, window_bounds = array<i64: 1, 1024, 8>}, {transform_indices = @transform_1, window_bounds = array<i64: 1, 1, 8, 4096>}, {pipeline_mode = #tpu.pipeline_mode<synchronous>, transform_indices = @transform_2, window_bounds = array<i64: 8, 128>}, {pipeline_mode = #tpu.pipeline_mode<synchronous>, transform_indices = @transform_3, window_bounds = array<i64: 1, 128>}, {pipeline_mode = #tpu.pipeline_mode<synchronous>, transform_indices = @transform_4, window_bounds = array<i64: 128, 128>}, {pipeline_mode = #tpu.pipeline_mode<synchronous>, transform_indices = @transform_5, window_bounds = array<i64: 1, 128>}, {transform_indices = @transform_6, window_bounds = array<i64: 1, 1024, 16>}, {transform_indices = @transform_7, window_bounds = array<i64: 1, 1024, 128>}]} {
    %get3A = arith.constant 0 : index
    %get3A_0 = arith.constant 0 : index
    %get3A_1 = arith.constant 0 : index
    %get3A_2 = vector.load %arg2[%get3A, %get3A_0, %get3A_1] : memref<1x1024x8xf32, #tpu.memory_space<vmem>>, vector<1x1024x8xf32>
    %get3A_3 = vector.shape_cast %get3A_2 : vector<1x1024x8xf32> to vector<1024x8xf32>
    %get3A_4 = arith.constant 0 : index
    %get3A_5 = arith.constant 0 : index
    %get3A_6 = vector.load %arg4[%get3A_4, %get3A_5] : memref<8x128xf32, #tpu.memory_space<vmem>>, vector<8x128xf32>
    %dot_general3A = arith.constant dense<0.000000e+00> : vector<1024x128xf32>
    %dot_general3A_7 = tpu.matmul %get3A_3, %get3A_6, %dot_general3A {dimension_numbers = #tpu.dot_dimension_numbers<[1], [0], [0], [1], [0, 0, 1, 1], [], []>, transpose_lhs_hint = false} : vector<1024x8xf32>, vector<8x128xf32>, vector<1024x128xf32> -> vector<1024x128xf32>
    %get3A_8 = arith.constant 0 : index
    %get3A_9 = arith.constant 0 : index
    %get3A_10 = vector.load %arg5[%get3A_8, %get3A_9] : memref<1x128xf32, #tpu.memory_space<vmem>>, vector<1x128xf32>
    %add3A = vector.broadcast %get3A_10 : vector<1x128xf32> to vector<1024x128xf32>
    %add3A_11 = arith.addf %dot_general3A_7, %add3A : vector<1024x128xf32>
    %max3A = arith.constant 0.000000e+00 : f32
    %max3A_12 = vector.broadcast %max3A : f32 to vector<1024x128xf32>
    %max3A_13 = arith.maximumf %add3A_11, %max3A_12 : vector<1024x128xf32>
    %get3A_14 = arith.constant 0 : index
    %get3A_15 = arith.constant 0 : index
    %get3A_16 = vector.load %arg6[%get3A_14, %get3A_15] : memref<128x128xf32, #tpu.memory_space<vmem>>, vector<128x128xf32>
    %dot_general3A_17 = arith.constant dense<0.000000e+00> : vector<1024x128xf32>
    %dot_general3A_18 = tpu.matmul %max3A_13, %get3A_16, %dot_general3A_17 {dimension_numbers = #tpu.dot_dimension_numbers<[1], [0], [0], [1], [0, 0, 1, 1], [], []>, transpose_lhs_hint = false} : vector<1024x128xf32>, vector<128x128xf32>, vector<1024x128xf32> -> vector<1024x128xf32>
    %get3A_19 = arith.constant 0 : index
    %get3A_20 = arith.constant 0 : index
    %get3A_21 = vector.load %arg7[%get3A_19, %get3A_20] : memref<1x128xf32, #tpu.memory_space<vmem>>, vector<1x128xf32>
    %add3A_22 = vector.broadcast %get3A_21 : vector<1x128xf32> to vector<1024x128xf32>
    %add3A_23 = arith.addf %dot_general3A_18, %add3A_22 : vector<1024x128xf32>
    %swap3A = arith.constant 0 : index
    %swap3A_24 = arith.constant 0 : index
    %swap3A_25 = arith.constant 0 : index
    %swap3A_26 = vector.load %arg9[%swap3A, %swap3A_24, %swap3A_25] : memref<1x1024x128xf32, #tpu.memory_space<vmem>>, vector<1x1024x128xf32>
    %swap3A_27 = vector.shape_cast %swap3A_26 : vector<1x1024x128xf32> to vector<1024x128xf32>
    %swap3A_28 = vector.shape_cast %add3A_23 : vector<1024x128xf32> to vector<1x1024x128xf32>
    tpu.vector_store %arg9[%swap3A, %swap3A_24, %swap3A_25], %swap3A_28 {strides = array<i32>} : memref<1x1024x128xf32, #tpu.memory_space<vmem>>, vector<1x1024x128xf32>,
    %iota3A = tpu.iota {dimensions = array<i32: 1>} : vector<1024x8xi32>
    %lt3A = arith.constant 3 : i32
    %lt3A_29 = vector.broadcast %lt3A : i32 to vector<1024x8xi32>
    %lt3A_30 = arith.cmpi slt, %iota3A, %lt3A_29 : vector<1024x8xi32>
    %jit3A = arith.constant 0.000000e+00 : f32
    %broadcast_in_dim3A = vector.broadcast %jit3A : f32 to vector<1024x8xf32>
    %select_n3A = arith.select %lt3A_30, %get3A_3, %broadcast_in_dim3A : vector<1024x8xi1>, vector<1024x8xf32>
    %mul3A = arith.mulf %select_n3A, %select_n3A : vector<1024x8xf32>
    %reduce_sum3A = arith.constant dense<0.000000e+00> : vector<1024xf32>
    %reduce_sum3A_31 = vector.multi_reduction <add>, %mul3A, %reduce_sum3A [1] : vector<1024x8xf32> to vector<1024xf32>
    %mul3A_32 = arith.constant 1024 : i32
    %mul3A_33 = arith.muli %arg1, %mul3A_32 : i32
    %iota3A_34 = tpu.iota {dimensions = array<i32: 0>} : vector<1024x4096xi32>
    %add3A_35 = vector.broadcast %mul3A_33 : i32 to vector<1024x4096xi32>
    %add3A_36 = arith.addi %add3A_35, %iota3A_34 : vector<1024x4096xi32>
    %iota3A_37 = tpu.iota {dimensions = array<i32: 1>} : vector<1024x4096xi32>
    %iota3A_38 = tpu.iota {dimensions = array<i32: 1>} : vector<1024x16xi32>
    %broadcast_in_dim3A_39 = arith.constant 0x7F800000 : f32
    %broadcast_in_dim3A_40 = vector.broadcast %broadcast_in_dim3A_39 : f32 to vector<1024xf32>
    %scan3A = arith.constant 0 : i32
    %get3A_41 = arith.constant 0 : index
    %get3A_42 = arith.index_cast %scan3A : i32 to index
    %get3A_43 = arith.constant 0 : index
    %get3A_44 = arith.constant 0 : index
    %get3A_45 = vector.load %arg3[%get3A_41, %get3A_42, %get3A_43, %get3A_44] : memref<1x1x8x4096xf32, #tpu.memory_space<vmem>>, vector<1x1x8x4096xf32>
    %get3A_46 = vector.shape_cast %get3A_45 : vector<1x1x8x4096xf32> to vector<8x4096xf32>
    %mul3A_47 = arith.mulf %get3A_46, %get3A_46 : vector<8x4096xf32>
    %reduce_sum3A_48 = arith.constant dense<0.000000e+00> : vector<4096xf32>
    %reduce_sum3A_49 = vector.multi_reduction <add>, %mul3A_47, %reduce_sum3A_48 [0] : vector<8x4096xf32> to vector<4096xf32>
    %dot_general3A_50 = arith.constant dense<0.000000e+00> : vector<1024x4096xf32>
    %dot_general3A_51 = tpu.matmul %select_n3A, %get3A_46, %dot_general3A_50 {dimension_numbers = #tpu.dot_dimension_numbers<[1], [0], [0], [1], [0, 0, 1, 1], [], []>, transpose_lhs_hint = false} : vector<1024x8xf32>, vector<8x4096xf32>, vector<1024x4096xf32> -> vector<1024x4096xf32>
    %broadcast_in_dim3A_52 = vector.shape_cast %reduce_sum3A_31 : vector<1024xf32> to vector<1024x1xf32>
    %broadcast_in_dim3A_53 = vector.shape_cast %reduce_sum3A_49 : vector<4096xf32> to vector<1x4096xf32>
    %add3A_54 = vector.broadcast %broadcast_in_dim3A_52 : vector<1024x1xf32> to vector<1024x4096xf32>
    %add3A_55 = vector.broadcast %broadcast_in_dim3A_53 : vector<1x4096xf32> to vector<1024x4096xf32>
    %add3A_56 = arith.addf %add3A_54, %add3A_55 : vector<1024x4096xf32>
    %mul3A_57 = arith.constant 2.000000e+00 : f32
    %mul3A_58 = vector.broadcast %mul3A_57 : f32 to vector<1024x4096xf32>
    %mul3A_59 = arith.mulf %mul3A_58, %dot_general3A_51 : vector<1024x4096xf32>
    %sub3A = arith.subf %add3A_56, %mul3A_59 : vector<1024x4096xf32>
    %mul3A_60 = arith.constant 4096 : i32
    %mul3A_61 = arith.muli %scan3A, %mul3A_60 : i32
    %add3A_62 = vector.broadcast %mul3A_61 : i32 to vector<1024x4096xi32>
    %add3A_63 = arith.addi %add3A_62, %iota3A_37 : vector<1024x4096xi32>
    %eq3A = arith.cmpi eq, %add3A_63, %add3A_36 : vector<1024x4096xi32>
    %add3A_64 = arith.constant 1.000000e+10 : f32
    %add3A_65 = vector.broadcast %add3A_64 : f32 to vector<1024x4096xf32>
    %add3A_66 = arith.addf %sub3A, %add3A_65 : vector<1024x4096xf32>
    %select_n3A_67 = arith.select %eq3A, %add3A_66, %sub3A : vector<1024x4096xi1>, vector<1024x4096xf32>
    %swap3A_68 = arith.index_cast %scan3A : i32 to index
    %swap3A_69 = arith.constant 0 : index
    %swap3A_70 = arith.constant 0 : index
    %swap3A_71 = vector.load %arg10[%swap3A_68, %swap3A_69, %swap3A_70] : memref<1x1024x4096xf32, #tpu.memory_space<vmem>>, vector<1x1024x4096xf32>
    %swap3A_72 = vector.shape_cast %swap3A_71 : vector<1x1024x4096xf32> to vector<1024x4096xf32>
    %swap3A_73 = vector.shape_cast %select_n3A_67 : vector<1024x4096xf32> to vector<1x1024x4096xf32>
    tpu.vector_store %arg10[%swap3A_68, %swap3A_69, %swap3A_70], %swap3A_73 {strides = array<i32>} : memref<1x1024x4096xf32, #tpu.memory_space<vmem>>, vector<1x1024x4096xf32>,
    %reduce_min3A = arith.constant dense<0x7F800000> : vector<1024xf32>
    %reduce_min3A_74 = vector.multi_reduction <minimumf>, %select_n3A_67, %reduce_min3A [1] : vector<1024x4096xf32> to vector<1024xf32>
    %min3A = arith.minimumf %broadcast_in_dim3A_40, %reduce_min3A_74 : vector<1024xf32>
    %scan3A_75 = arith.constant 1 : i32
    %broadcast_in_dim3A_76 = arith.constant 0 : i32
    %broadcast_in_dim3A_77 = vector.broadcast %broadcast_in_dim3A_76 : i32 to vector<1024x16xi32>
    %scan3A_78 = arith.constant 1073741824 : i32
    %scan3A_79 = arith.constant 0 : i32
    %scan3A_80 = arith.constant 16 : i32
    %scan3A_81 = arith.addi %scan3A_79, %scan3A_80 : i32
    %scan3A_82 = arith.constant 1 : i32
    %scan3A_83:2 = scf.for %scan3A_91 = %scan3A_79 to %scan3A_81 step %scan3A_82 iter_args(%scan3A_92 = %min3A, %scan3A_93 = %broadcast_in_dim3A_77) -> (vector<1024xf32>, vector<1024x16xi32>)  : i32 {
      %broadcast_in_dim3A_94 = vector.broadcast %scan3A_78 : i32 to vector<1024xi32>
      %broadcast_in_dim3A_95 = arith.constant 0x7F800000 : f32
      %broadcast_in_dim3A_96 = vector.broadcast %broadcast_in_dim3A_95 : f32 to vector<1024xf32>
      %scan3A_97 = arith.constant 0 : i32
      %get3A_98 = arith.index_cast %scan3A_97 : i32 to index
      %get3A_99 = arith.constant 0 : index
      %get3A_100 = arith.constant 0 : index
      %get3A_101 = vector.load %arg10[%get3A_98, %get3A_99, %get3A_100] : memref<1x1024x4096xf32, #tpu.memory_space<vmem>>, vector<1x1024x4096xf32>
      %get3A_102 = vector.shape_cast %get3A_101 : vector<1x1024x4096xf32> to vector<1024x4096xf32>
      %mul3A_103 = arith.constant 4096 : i32
      %mul3A_104 = arith.muli %scan3A_97, %mul3A_103 : i32
      %add3A_105 = vector.broadcast %mul3A_104 : i32 to vector<1024x4096xi32>
      %add3A_106 = arith.addi %add3A_105, %iota3A_37 : vector<1024x4096xi32>
      %broadcast_in_dim3A_107 = vector.shape_cast %scan3A_92 : vector<1024xf32> to vector<1024x1xf32>
      %le3A = vector.broadcast %broadcast_in_dim3A_107 : vector<1024x1xf32> to vector<1024x4096xf32>
      %le3A_108 = arith.cmpf ole, %get3A_102, %le3A : vector<1024x4096xf32>
      %broadcast_in_dim3A_109 = vector.broadcast %scan3A_78 : i32 to vector<1024x4096xi32>
      %select_n3A_110 = arith.select %le3A_108, %add3A_106, %broadcast_in_dim3A_109 : vector<1024x4096xi1>, vector<1024x4096xi32>
      %reduce_min3A_111 = arith.constant dense<2147483647> : vector<1024xi32>
      %reduce_min3A_112 = vector.multi_reduction <minsi>, %select_n3A_110, %reduce_min3A_111 [1] : vector<1024x4096xi32> to vector<1024xi32>
      %broadcast_in_dim3A_113 = vector.shape_cast %reduce_min3A_112 : vector<1024xi32> to vector<1024x1xi32>
      %eq3A_114 = vector.broadcast %broadcast_in_dim3A_113 : vector<1024x1xi32> to vector<1024x4096xi32>
      %eq3A_115 = arith.cmpi eq, %add3A_106, %eq3A_114 : vector<1024x4096xi32>
      %broadcast_in_dim3A_116 = vector.shape_cast %broadcast_in_dim3A_94 : vector<1024xi32> to vector<1024x1xi32>
      %eq3A_117 = vector.broadcast %scan3A_78 : i32 to vector<1024x1xi32>
      %eq3A_118 = arith.cmpi eq, %broadcast_in_dim3A_116, %eq3A_117 : vector<1024x1xi32>
      %and3A = vector.broadcast %eq3A_118 : vector<1024x1xi1> to vector<1024x4096xi1>
      %and3A_119 = arith.andi %eq3A_115, %and3A : vector<1024x4096xi1>
      %jit3A_120 = arith.constant 0x7F800000 : f32
      %broadcast_in_dim3A_121 = vector.broadcast %jit3A_120 : f32 to vector<1024x4096xf32>
      %select_n3A_122 = arith.select %and3A_119, %broadcast_in_dim3A_121, %get3A_102 : vector<1024x4096xi1>, vector<1024x4096xf32>
      %swap3A_123 = arith.index_cast %scan3A_97 : i32 to index
      %swap3A_124 = arith.constant 0 : index
      %swap3A_125 = arith.constant 0 : index
      %swap3A_126 = vector.load %arg10[%swap3A_123, %swap3A_124, %swap3A_125] : memref<1x1024x4096xf32, #tpu.memory_space<vmem>>, vector<1x1024x4096xf32>
      %swap3A_127 = vector.shape_cast %swap3A_126 : vector<1x1024x4096xf32> to vector<1024x4096xf32>
      %swap3A_128 = vector.shape_cast %select_n3A_122 : vector<1024x4096xf32> to vector<1x1024x4096xf32>
      tpu.vector_store %arg10[%swap3A_123, %swap3A_124, %swap3A_125], %swap3A_128 {strides = array<i32>} : memref<1x1024x4096xf32, #tpu.memory_space<vmem>>, vector<1x1024x4096xf32>,
      %min3A_129 = arith.minsi %broadcast_in_dim3A_94, %reduce_min3A_112 : vector<1024xi32>
      %reduce_min3A_130 = arith.constant dense<0x7F800000> : vector<1024xf32>
      %reduce_min3A_131 = vector.multi_reduction <minimumf>, %select_n3A_122, %reduce_min3A_130 [1] : vector<1024x4096xf32> to vector<1024xf32>
      %min3A_132 = arith.minimumf %broadcast_in_dim3A_96, %reduce_min3A_131 : vector<1024xf32>
      %scan3A_133 = arith.constant 1 : i32
      %eq3A_134 = vector.broadcast %scan3A_91 : i32 to vector<1024x16xi32>
      %eq3A_135 = arith.cmpi eq, %iota3A_38, %eq3A_134 : vector<1024x16xi32>
      %broadcast_in_dim3A_136 = vector.shape_cast %min3A_129 : vector<1024xi32> to vector<1024x1xi32>
      %broadcast_in_dim3A_137 = vector.shape_cast %broadcast_in_dim3A_136 : vector<1024x1xi32> to vector<1024x1xi32>
      %broadcast_in_dim3A_138 = vector.broadcast %broadcast_in_dim3A_137 : vector<1024x1xi32> to vector<1024x16xi32>
      %select_n3A_139 = arith.select %eq3A_135, %broadcast_in_dim3A_138, %scan3A_93 : vector<1024x16xi1>, vector<1024x16xi32>
      scf.yield %min3A_132, %select_n3A_139 : vector<1024xf32>, vector<1024x16xi32>
    }
    %scan3A_84 = arith.constant 16 : i32
    %swap3A_85 = arith.constant 0 : index
    %swap3A_86 = arith.constant 0 : index
    %swap3A_87 = arith.constant 0 : index
    %swap3A_88 = vector.load %arg8[%swap3A_85, %swap3A_86, %swap3A_87] : memref<1x1024x16xi32, #tpu.memory_space<vmem>>, vector<1x1024x16xi32>
    %swap3A_89 = vector.shape_cast %swap3A_88 : vector<1x1024x16xi32> to vector<1024x16xi32>
    %swap3A_90 = vector.shape_cast %scan3A_83#1 : vector<1024x16xi32> to vector<1x1024x16xi32>
    tpu.vector_store %arg8[%swap3A_85, %swap3A_86, %swap3A_87], %swap3A_90 {strides = array<i32>} : memref<1x1024x16xi32, #tpu.memory_space<vmem>>, vector<1x1024x16xi32>,
    return
  }
  func.func @transform_0(%arg0: i32, %arg1: i32) -> (i32, i32, i32) {
    %c0_i32 = arith.constant 0 : i32
    %c0_i32_0 = arith.constant 0 : i32
    return %arg0, %arg1, %c0_i32 : i32, i32, i32
  }
  func.func @transform_1(%arg0: i32, %arg1: i32) -> (i32, i32, i32, i32) {
    %c0_i32 = arith.constant 0 : i32
    %c0_i32_0 = arith.constant 0 : i32
    %c0_i32_1 = arith.constant 0 : i32
    %c0_i32_2 = arith.constant 0 : i32
    return %arg0, %c0_i32, %c0_i32_0, %c0_i32_1 : i32, i32, i32, i32
  }
  func.func @transform_2(%arg0: i32, %arg1: i32) -> (i32, i32) {
    %c0_i32 = arith.constant 0 : i32
    %c0_i32_0 = arith.constant 0 : i32
    %c0_i32_1 = arith.constant 0 : i32
    return %c0_i32, %c0_i32_0 : i32, i32
  }
  func.func @transform_3(%arg0: i32, %arg1: i32) -> (i32, i32) {
    %c0_i32 = arith.constant 0 : i32
    %c0_i32_0 = arith.constant 0 : i32
    %c0_i32_1 = arith.constant 0 : i32
    return %c0_i32, %c0_i32_0 : i32, i32
  }
  func.func @transform_4(%arg0: i32, %arg1: i32) -> (i32, i32) {
    %c0_i32 = arith.constant 0 : i32
    %c0_i32_0 = arith.constant 0 : i32
    %c0_i32_1 = arith.constant 0 : i32
    return %c0_i32, %c0_i32_0 : i32, i32
  }
  func.func @transform_5(%arg0: i32, %arg1: i32) -> (i32, i32) {
    %c0_i32 = arith.constant 0 : i32
    %c0_i32_0 = arith.constant 0 : i32
    %c0_i32_1 = arith.constant 0 : i32
    return %c0_i32, %c0_i32_0 : i32, i32
  }
  func.func @transform_6(%arg0: i32, %arg1: i32) -> (i32, i32, i32) {
    %c0_i32 = arith.constant 0 : i32
    %c0_i32_0 = arith.constant 0 : i32
    return %arg0, %arg1, %c0_i32 : i32, i32, i32
  }
  func.func @transform_7(%arg0: i32, %arg1: i32) -> (i32, i32, i32) {
    %c0_i32 = arith.constant 0 : i32
    %c0_i32_0 = arith.constant 0 : i32
    return %arg0, %arg1, %c0_i32 : i32, i32, i32
  }
}

module attributes {stable_mosaic.version = 14 : i64} {
  func.func @_pt_layer_body(%arg0: i32, %arg1: i32, %arg2: memref<1x17x256x128xf32, #tpu.memory_space<vmem>>, %arg3: memref<1x17x256x128xf32, #tpu.memory_space<vmem>>, %arg4: memref<1x256x16xf32, #tpu.memory_space<vmem>>, %arg5: memref<128x128xf32, #tpu.memory_space<vmem>>, %arg6: memref<128x128xf32, #tpu.memory_space<vmem>>, %arg7: memref<16x128xf32, #tpu.memory_space<vmem>>, %arg8: memref<1x128xf32, #tpu.memory_space<vmem>>, %arg9: memref<1x256x128xf32, #tpu.memory_space<vmem>>) attributes {dimension_semantics = [#tpu.dimension_semantics<arbitrary>, #tpu.dimension_semantics<arbitrary>], iteration_bounds = array<i64: 2, 16>, scalar_prefetch = 0 : i64, scratch_operands = 0 : i64, tpu.core_type = #tpu.core_type<tc>, window_params = [{transform_indices = @transform_0, window_bounds = array<i64: 1, 17, 256, 128>}, {transform_indices = @transform_1, window_bounds = array<i64: 1, 17, 256, 128>}, {transform_indices = @transform_2, window_bounds = array<i64: 1, 256, 16>}, {pipeline_mode = #tpu.pipeline_mode<synchronous>, transform_indices = @transform_3, window_bounds = array<i64: 128, 128>}, {pipeline_mode = #tpu.pipeline_mode<synchronous>, transform_indices = @transform_4, window_bounds = array<i64: 128, 128>}, {pipeline_mode = #tpu.pipeline_mode<synchronous>, transform_indices = @transform_5, window_bounds = array<i64: 16, 128>}, {pipeline_mode = #tpu.pipeline_mode<synchronous>, transform_indices = @transform_6, window_bounds = array<i64: 1, 128>}, {transform_indices = @transform_7, window_bounds = array<i64: 1, 256, 128>}]} {
    %get3A = arith.constant 0 : index
    %get3A_0 = arith.constant 0 : index
    %get3A_1 = arith.constant 0 : index
    %get3A_2 = arith.constant 0 : index
    %get3A_3 = vector.load %arg2[%get3A, %get3A_0, %get3A_1, %get3A_2] : memref<1x17x256x128xf32, #tpu.memory_space<vmem>>, vector<1x17x256x128xf32>
    %get3A_4 = vector.shape_cast %get3A_3 : vector<1x17x256x128xf32> to vector<17x256x128xf32>
    %reshape3A = vector.shape_cast %get3A_4 : vector<17x256x128xf32> to vector<4352x128xf32>
    %get3A_5 = arith.constant 0 : index
    %get3A_6 = arith.constant 0 : index
    %get3A_7 = vector.load %arg5[%get3A_5, %get3A_6] : memref<128x128xf32, #tpu.memory_space<vmem>>, vector<128x128xf32>
    %dot_general3A = arith.constant dense<0.000000e+00> : vector<4352x128xf32>
    %dot_general3A_8 = tpu.matmul %reshape3A, %get3A_7, %dot_general3A {dimension_numbers = #tpu.dot_dimension_numbers<[1], [0], [0], [1], [0, 0, 1, 1], [], []>, transpose_lhs_hint = false} : vector<4352x128xf32>, vector<128x128xf32>, vector<4352x128xf32> -> vector<4352x128xf32>
    %get3A_9 = arith.constant 0 : index
    %get3A_10 = arith.constant 0 : index
    %get3A_11 = vector.load %arg6[%get3A_9, %get3A_10] : memref<128x128xf32, #tpu.memory_space<vmem>>, vector<128x128xf32>
    %dot_general3A_12 = arith.constant dense<0.000000e+00> : vector<4352x128xf32>
    %dot_general3A_13 = tpu.matmul %reshape3A, %get3A_11, %dot_general3A_12 {dimension_numbers = #tpu.dot_dimension_numbers<[1], [0], [0], [1], [0, 0, 1, 1], [], []>, transpose_lhs_hint = false} : vector<4352x128xf32>, vector<128x128xf32>, vector<4352x128xf32> -> vector<4352x128xf32>
    %get3A_14 = arith.constant 0 : index
    %get3A_15 = arith.constant 0 : index
    %get3A_16 = arith.constant 0 : index
    %get3A_17 = arith.constant 0 : index
    %get3A_18 = vector.load %arg3[%get3A_14, %get3A_15, %get3A_16, %get3A_17] : memref<1x17x256x128xf32, #tpu.memory_space<vmem>>, vector<1x17x256x128xf32>
    %get3A_19 = vector.shape_cast %get3A_18 : vector<1x17x256x128xf32> to vector<17x256x128xf32>
    %reshape3A_20 = vector.shape_cast %get3A_19 : vector<17x256x128xf32> to vector<4352x128xf32>
    %slice3A = vector.extract_strided_slice %reshape3A_20 {offsets = [0, 0], sizes = [4352, 16], strides = [1, 1]} : vector<4352x128xf32> to vector<4352x16xf32>
    %get3A_21 = arith.constant 0 : index
    %get3A_22 = arith.constant 0 : index
    %get3A_23 = arith.constant 0 : index
    %get3A_24 = vector.load %arg4[%get3A_21, %get3A_22, %get3A_23] : memref<1x256x16xf32, #tpu.memory_space<vmem>>, vector<1x256x16xf32>
    %get3A_25 = vector.shape_cast %get3A_24 : vector<1x256x16xf32> to vector<256x16xf32>
    %broadcast_in_dim3A = vector.shape_cast %get3A_25 : vector<256x16xf32> to vector<1x256x16xf32>
    %broadcast_in_dim3A_26 = vector.shape_cast %broadcast_in_dim3A : vector<1x256x16xf32> to vector<1x256x16xf32>
    %broadcast_in_dim3A_27 = vector.broadcast %broadcast_in_dim3A_26 : vector<1x256x16xf32> to vector<17x256x16xf32>
    %reshape3A_28 = vector.shape_cast %broadcast_in_dim3A_27 : vector<17x256x16xf32> to vector<4352x16xf32>
    %sub3A = arith.subf %reshape3A_28, %slice3A : vector<4352x16xf32>
    %get3A_29 = arith.constant 0 : index
    %get3A_30 = arith.constant 0 : index
    %get3A_31 = vector.load %arg7[%get3A_29, %get3A_30] : memref<16x128xf32, #tpu.memory_space<vmem>>, vector<16x128xf32>
    %dot_general3A_32 = arith.constant dense<0.000000e+00> : vector<4352x128xf32>
    %dot_general3A_33 = tpu.matmul %sub3A, %get3A_31, %dot_general3A_32 {dimension_numbers = #tpu.dot_dimension_numbers<[1], [0], [0], [1], [0, 0, 1, 1], [], []>, transpose_lhs_hint = false} : vector<4352x16xf32>, vector<16x128xf32>, vector<4352x128xf32> -> vector<4352x128xf32>
    %get3A_34 = arith.constant 0 : index
    %get3A_35 = arith.constant 0 : index
    %get3A_36 = vector.load %arg8[%get3A_34, %get3A_35] : memref<1x128xf32, #tpu.memory_space<vmem>>, vector<1x128xf32>
    %add3A = vector.broadcast %get3A_36 : vector<1x128xf32> to vector<4352x128xf32>
    %add3A_37 = arith.addf %dot_general3A_33, %add3A : vector<4352x128xf32>
    %sub3A_38 = arith.subf %add3A_37, %dot_general3A_8 : vector<4352x128xf32>
    %reshape3A_39 = vector.shape_cast %sub3A_38 : vector<4352x128xf32> to vector<17x256x128xf32>
    %reduce_max3A = arith.constant dense<0xFF800000> : vector<256x128xf32>
    %reduce_max3A_40 = vector.multi_reduction <maximumf>, %reshape3A_39, %reduce_max3A [0] : vector<17x256x128xf32> to vector<256x128xf32>
    %broadcast_in_dim3A_41 = vector.shape_cast %reduce_max3A_40 : vector<256x128xf32> to vector<1x256x128xf32>
    %sub3A_42 = vector.broadcast %broadcast_in_dim3A_41 : vector<1x256x128xf32> to vector<17x256x128xf32>
    %sub3A_43 = arith.subf %reshape3A_39, %sub3A_42 : vector<17x256x128xf32>
    %exp3A = math.exp %sub3A_43 : vector<17x256x128xf32>
    %reduce_sum3A = arith.constant dense<0.000000e+00> : vector<256x128xf32>
    %reduce_sum3A_44 = vector.multi_reduction <add>, %exp3A, %reduce_sum3A [0] : vector<17x256x128xf32> to vector<256x128xf32>
    %add3A_45 = arith.addf %dot_general3A_13, %add3A_37 : vector<4352x128xf32>
    %reshape3A_46 = vector.shape_cast %add3A_45 : vector<4352x128xf32> to vector<17x256x128xf32>
    %mul3A = arith.mulf %exp3A, %reshape3A_46 : vector<17x256x128xf32>
    %reduce_sum3A_47 = arith.constant dense<0.000000e+00> : vector<256x128xf32>
    %reduce_sum3A_48 = vector.multi_reduction <add>, %mul3A, %reduce_sum3A_47 [0] : vector<17x256x128xf32> to vector<256x128xf32>
    %div3A = arith.divf %reduce_sum3A_48, %reduce_sum3A_44 : vector<256x128xf32>
    %swap3A = arith.constant 0 : index
    %swap3A_49 = arith.constant 0 : index
    %swap3A_50 = arith.constant 0 : index
    %swap3A_51 = vector.load %arg9[%swap3A, %swap3A_49, %swap3A_50] : memref<1x256x128xf32, #tpu.memory_space<vmem>>, vector<1x256x128xf32>
    %swap3A_52 = vector.shape_cast %swap3A_51 : vector<1x256x128xf32> to vector<256x128xf32>
    %swap3A_53 = vector.shape_cast %div3A : vector<256x128xf32> to vector<1x256x128xf32>
    tpu.vector_store %arg9[%swap3A, %swap3A_49, %swap3A_50], %swap3A_53 {strides = array<i32>} : memref<1x256x128xf32, #tpu.memory_space<vmem>>, vector<1x256x128xf32>,
    return
  }
  func.func @transform_0(%arg0: i32, %arg1: i32) -> (i32, i32, i32, i32) {
    %c0_i32 = arith.constant 0 : i32
    %c0_i32_0 = arith.constant 0 : i32
    %c0_i32_1 = arith.constant 0 : i32
    return %arg0, %c0_i32, %arg1, %c0_i32_0 : i32, i32, i32, i32
  }
  func.func @transform_1(%arg0: i32, %arg1: i32) -> (i32, i32, i32, i32) {
    %c0_i32 = arith.constant 0 : i32
    %c0_i32_0 = arith.constant 0 : i32
    %c0_i32_1 = arith.constant 0 : i32
    return %arg0, %c0_i32, %arg1, %c0_i32_0 : i32, i32, i32, i32
  }
  func.func @transform_2(%arg0: i32, %arg1: i32) -> (i32, i32, i32) {
    %c0_i32 = arith.constant 0 : i32
    %c0_i32_0 = arith.constant 0 : i32
    return %arg0, %arg1, %c0_i32 : i32, i32, i32
  }
  func.func @transform_3(%arg0: i32, %arg1: i32) -> (i32, i32) {
    %c0_i32 = arith.constant 0 : i32
    %c0_i32_0 = arith.constant 0 : i32
    %c0_i32_1 = arith.constant 0 : i32
    return %c0_i32, %c0_i32_0 : i32, i32
  }
  func.func @transform_4(%arg0: i32, %arg1: i32) -> (i32, i32) {
    %c0_i32 = arith.constant 0 : i32
    %c0_i32_0 = arith.constant 0 : i32
    %c0_i32_1 = arith.constant 0 : i32
    return %c0_i32, %c0_i32_0 : i32, i32
  }
  func.func @transform_5(%arg0: i32, %arg1: i32) -> (i32, i32) {
    %c0_i32 = arith.constant 0 : i32
    %c0_i32_0 = arith.constant 0 : i32
    %c0_i32_1 = arith.constant 0 : i32
    return %c0_i32, %c0_i32_0 : i32, i32
  }
  func.func @transform_6(%arg0: i32, %arg1: i32) -> (i32, i32) {
    %c0_i32 = arith.constant 0 : i32
    %c0_i32_0 = arith.constant 0 : i32
    %c0_i32_1 = arith.constant 0 : i32
    return %c0_i32, %c0_i32_0 : i32, i32
  }
  func.func @transform_7(%arg0: i32, %arg1: i32) -> (i32, i32, i32) {
    %c0_i32 = arith.constant 0 : i32
    %c0_i32_0 = arith.constant 0 : i32
    return %arg0, %arg1, %c0_i32 : i32, i32, i32
  }
}

module attributes {stable_mosaic.version = 14 : i64} {
  func.func @_pt_layer_body(%arg0: i32, %arg1: i32, %arg2: memref<1x17x256x128xf32, #tpu.memory_space<vmem>>, %arg3: memref<1x17x256x128xf32, #tpu.memory_space<vmem>>, %arg4: memref<1x256x16xf32, #tpu.memory_space<vmem>>, %arg5: memref<128x256xf32, #tpu.memory_space<vmem>>, %arg6: memref<128x256xf32, #tpu.memory_space<vmem>>, %arg7: memref<16x256xf32, #tpu.memory_space<vmem>>, %arg8: memref<1x256xf32, #tpu.memory_space<vmem>>, %arg9: memref<1x1x1x256xf32, #tpu.memory_space<vmem>>) attributes {dimension_semantics = [#tpu.dimension_semantics<arbitrary>, #tpu.dimension_semantics<arbitrary>], iteration_bounds = array<i64: 2, 16>, scalar_prefetch = 0 : i64, scratch_operands = 0 : i64, tpu.core_type = #tpu.core_type<tc>, window_params = [{transform_indices = @transform_0, window_bounds = array<i64: 1, 17, 256, 128>}, {transform_indices = @transform_1, window_bounds = array<i64: 1, 17, 256, 128>}, {transform_indices = @transform_2, window_bounds = array<i64: 1, 256, 16>}, {pipeline_mode = #tpu.pipeline_mode<synchronous>, transform_indices = @transform_3, window_bounds = array<i64: 128, 256>}, {pipeline_mode = #tpu.pipeline_mode<synchronous>, transform_indices = @transform_4, window_bounds = array<i64: 128, 256>}, {pipeline_mode = #tpu.pipeline_mode<synchronous>, transform_indices = @transform_5, window_bounds = array<i64: 16, 256>}, {pipeline_mode = #tpu.pipeline_mode<synchronous>, transform_indices = @transform_6, window_bounds = array<i64: 1, 256>}, {transform_indices = @transform_7, window_bounds = array<i64: 1, 1, 1, 256>}]} {
    %get3A = arith.constant 0 : index
    %get3A_0 = arith.constant 0 : index
    %get3A_1 = arith.constant 0 : index
    %get3A_2 = arith.constant 0 : index
    %get3A_3 = vector.load %arg2[%get3A, %get3A_0, %get3A_1, %get3A_2] : memref<1x17x256x128xf32, #tpu.memory_space<vmem>>, vector<1x17x256x128xf32>
    %get3A_4 = vector.shape_cast %get3A_3 : vector<1x17x256x128xf32> to vector<17x256x128xf32>
    %reshape3A = vector.shape_cast %get3A_4 : vector<17x256x128xf32> to vector<4352x128xf32>
    %get3A_5 = arith.constant 0 : index
    %get3A_6 = arith.constant 0 : index
    %get3A_7 = vector.load %arg5[%get3A_5, %get3A_6] : memref<128x256xf32, #tpu.memory_space<vmem>>, vector<128x256xf32>
    %dot_general3A = arith.constant dense<0.000000e+00> : vector<4352x256xf32>
    %dot_general3A_8 = tpu.matmul %reshape3A, %get3A_7, %dot_general3A {dimension_numbers = #tpu.dot_dimension_numbers<[1], [0], [0], [1], [0, 0, 1, 1], [], []>, transpose_lhs_hint = false} : vector<4352x128xf32>, vector<128x256xf32>, vector<4352x256xf32> -> vector<4352x256xf32>
    %get3A_9 = arith.constant 0 : index
    %get3A_10 = arith.constant 0 : index
    %get3A_11 = vector.load %arg6[%get3A_9, %get3A_10] : memref<128x256xf32, #tpu.memory_space<vmem>>, vector<128x256xf32>
    %dot_general3A_12 = arith.constant dense<0.000000e+00> : vector<4352x256xf32>
    %dot_general3A_13 = tpu.matmul %reshape3A, %get3A_11, %dot_general3A_12 {dimension_numbers = #tpu.dot_dimension_numbers<[1], [0], [0], [1], [0, 0, 1, 1], [], []>, transpose_lhs_hint = false} : vector<4352x128xf32>, vector<128x256xf32>, vector<4352x256xf32> -> vector<4352x256xf32>
    %get3A_14 = arith.constant 0 : index
    %get3A_15 = arith.constant 0 : index
    %get3A_16 = arith.constant 0 : index
    %get3A_17 = arith.constant 0 : index
    %get3A_18 = vector.load %arg3[%get3A_14, %get3A_15, %get3A_16, %get3A_17] : memref<1x17x256x128xf32, #tpu.memory_space<vmem>>, vector<1x17x256x128xf32>
    %get3A_19 = vector.shape_cast %get3A_18 : vector<1x17x256x128xf32> to vector<17x256x128xf32>
    %reshape3A_20 = vector.shape_cast %get3A_19 : vector<17x256x128xf32> to vector<4352x128xf32>
    %slice3A = vector.extract_strided_slice %reshape3A_20 {offsets = [0, 0], sizes = [4352, 16], strides = [1, 1]} : vector<4352x128xf32> to vector<4352x16xf32>
    %get3A_21 = arith.constant 0 : index
    %get3A_22 = arith.constant 0 : index
    %get3A_23 = arith.constant 0 : index
    %get3A_24 = vector.load %arg4[%get3A_21, %get3A_22, %get3A_23] : memref<1x256x16xf32, #tpu.memory_space<vmem>>, vector<1x256x16xf32>
    %get3A_25 = vector.shape_cast %get3A_24 : vector<1x256x16xf32> to vector<256x16xf32>
    %broadcast_in_dim3A = vector.shape_cast %get3A_25 : vector<256x16xf32> to vector<1x256x16xf32>
    %broadcast_in_dim3A_26 = vector.shape_cast %broadcast_in_dim3A : vector<1x256x16xf32> to vector<1x256x16xf32>
    %broadcast_in_dim3A_27 = vector.broadcast %broadcast_in_dim3A_26 : vector<1x256x16xf32> to vector<17x256x16xf32>
    %reshape3A_28 = vector.shape_cast %broadcast_in_dim3A_27 : vector<17x256x16xf32> to vector<4352x16xf32>
    %sub3A = arith.subf %reshape3A_28, %slice3A : vector<4352x16xf32>
    %get3A_29 = arith.constant 0 : index
    %get3A_30 = arith.constant 0 : index
    %get3A_31 = vector.load %arg7[%get3A_29, %get3A_30] : memref<16x256xf32, #tpu.memory_space<vmem>>, vector<16x256xf32>
    %dot_general3A_32 = arith.constant dense<0.000000e+00> : vector<4352x256xf32>
    %dot_general3A_33 = tpu.matmul %sub3A, %get3A_31, %dot_general3A_32 {dimension_numbers = #tpu.dot_dimension_numbers<[1], [0], [0], [1], [0, 0, 1, 1], [], []>, transpose_lhs_hint = false} : vector<4352x16xf32>, vector<16x256xf32>, vector<4352x256xf32> -> vector<4352x256xf32>
    %get3A_34 = arith.constant 0 : index
    %get3A_35 = arith.constant 0 : index
    %get3A_36 = vector.load %arg8[%get3A_34, %get3A_35] : memref<1x256xf32, #tpu.memory_space<vmem>>, vector<1x256xf32>
    %add3A = vector.broadcast %get3A_36 : vector<1x256xf32> to vector<4352x256xf32>
    %add3A_37 = arith.addf %dot_general3A_33, %add3A : vector<4352x256xf32>
    %sub3A_38 = arith.subf %add3A_37, %dot_general3A_8 : vector<4352x256xf32>
    %reshape3A_39 = vector.shape_cast %sub3A_38 : vector<4352x256xf32> to vector<17x256x256xf32>
    %reduce_max3A = arith.constant dense<0xFF800000> : vector<256x256xf32>
    %reduce_max3A_40 = vector.multi_reduction <maximumf>, %reshape3A_39, %reduce_max3A [0] : vector<17x256x256xf32> to vector<256x256xf32>
    %broadcast_in_dim3A_41 = vector.shape_cast %reduce_max3A_40 : vector<256x256xf32> to vector<1x256x256xf32>
    %sub3A_42 = vector.broadcast %broadcast_in_dim3A_41 : vector<1x256x256xf32> to vector<17x256x256xf32>
    %sub3A_43 = arith.subf %reshape3A_39, %sub3A_42 : vector<17x256x256xf32>
    %exp3A = math.exp %sub3A_43 : vector<17x256x256xf32>
    %reduce_sum3A = arith.constant dense<0.000000e+00> : vector<256x256xf32>
    %reduce_sum3A_44 = vector.multi_reduction <add>, %exp3A, %reduce_sum3A [0] : vector<17x256x256xf32> to vector<256x256xf32>
    %add3A_45 = arith.addf %dot_general3A_13, %add3A_37 : vector<4352x256xf32>
    %reshape3A_46 = vector.shape_cast %add3A_45 : vector<4352x256xf32> to vector<17x256x256xf32>
    %mul3A = arith.mulf %exp3A, %reshape3A_46 : vector<17x256x256xf32>
    %reduce_sum3A_47 = arith.constant dense<0.000000e+00> : vector<256x256xf32>
    %reduce_sum3A_48 = vector.multi_reduction <add>, %mul3A, %reduce_sum3A_47 [0] : vector<17x256x256xf32> to vector<256x256xf32>
    %div3A = arith.divf %reduce_sum3A_48, %reduce_sum3A_44 : vector<256x256xf32>
    %reduce_max3A_49 = arith.constant dense<0xFF800000> : vector<256xf32>
    %reduce_max3A_50 = vector.multi_reduction <maximumf>, %div3A, %reduce_max3A_49 [0] : vector<256x256xf32> to vector<256xf32>
    %swap3A = arith.constant 0 : index
    %swap3A_51 = arith.constant 0 : index
    %swap3A_52 = arith.constant 0 : index
    %swap3A_53 = arith.constant 0 : index
    %swap3A_54 = vector.load %arg9[%swap3A, %swap3A_51, %swap3A_52, %swap3A_53] : memref<1x1x1x256xf32, #tpu.memory_space<vmem>>, vector<1x1x1x256xf32>
    %swap3A_55 = vector.shape_cast %swap3A_54 : vector<1x1x1x256xf32> to vector<256xf32>
    %swap3A_56 = vector.shape_cast %reduce_max3A_50 : vector<256xf32> to vector<1x1x1x256xf32>
    tpu.vector_store %arg9[%swap3A, %swap3A_51, %swap3A_52, %swap3A_53], %swap3A_56 {strides = array<i32>} : memref<1x1x1x256xf32, #tpu.memory_space<vmem>>, vector<1x1x1x256xf32>,
    return
  }
  func.func @transform_0(%arg0: i32, %arg1: i32) -> (i32, i32, i32, i32) {
    %c0_i32 = arith.constant 0 : i32
    %c0_i32_0 = arith.constant 0 : i32
    %c0_i32_1 = arith.constant 0 : i32
    return %arg0, %c0_i32, %arg1, %c0_i32_0 : i32, i32, i32, i32
  }
  func.func @transform_1(%arg0: i32, %arg1: i32) -> (i32, i32, i32, i32) {
    %c0_i32 = arith.constant 0 : i32
    %c0_i32_0 = arith.constant 0 : i32
    %c0_i32_1 = arith.constant 0 : i32
    return %arg0, %c0_i32, %arg1, %c0_i32_0 : i32, i32, i32, i32
  }
  func.func @transform_2(%arg0: i32, %arg1: i32) -> (i32, i32, i32) {
    %c0_i32 = arith.constant 0 : i32
    %c0_i32_0 = arith.constant 0 : i32
    return %arg0, %arg1, %c0_i32 : i32, i32, i32
  }
  func.func @transform_3(%arg0: i32, %arg1: i32) -> (i32, i32) {
    %c0_i32 = arith.constant 0 : i32
    %c0_i32_0 = arith.constant 0 : i32
    %c0_i32_1 = arith.constant 0 : i32
    return %c0_i32, %c0_i32_0 : i32, i32
  }
  func.func @transform_4(%arg0: i32, %arg1: i32) -> (i32, i32) {
    %c0_i32 = arith.constant 0 : i32
    %c0_i32_0 = arith.constant 0 : i32
    %c0_i32_1 = arith.constant 0 : i32
    return %c0_i32, %c0_i32_0 : i32, i32
  }
  func.func @transform_5(%arg0: i32, %arg1: i32) -> (i32, i32) {
    %c0_i32 = arith.constant 0 : i32
    %c0_i32_0 = arith.constant 0 : i32
    %c0_i32_1 = arith.constant 0 : i32
    return %c0_i32, %c0_i32_0 : i32, i32
  }
  func.func @transform_6(%arg0: i32, %arg1: i32) -> (i32, i32) {
    %c0_i32 = arith.constant 0 : i32
    %c0_i32_0 = arith.constant 0 : i32
    %c0_i32_1 = arith.constant 0 : i32
    return %c0_i32, %c0_i32_0 : i32, i32
  }
  func.func @transform_7(%arg0: i32, %arg1: i32) -> (i32, i32, i32, i32) {
    %c0_i32 = arith.constant 0 : i32
    %c0_i32_0 = arith.constant 0 : i32
    %c0_i32_1 = arith.constant 0 : i32
    return %arg0, %arg1, %c0_i32, %c0_i32_0 : i32, i32, i32, i32
  }
}

</mosaic_0001>

<sc_bundles>
// kernel: kernel.10.cloned.1.call-start
scs
__scs_entry_jumppad:
0x0: {  	(pc) =	sbr.rel $0x88, $3  }
0x1: {  	(tag) =	ssettag $0x0;
	lr =	simm.s32 $0x1  }
0x2: {  	[smem:$0x3F90] =	sst lr;
	_ =	strace $0xD0000000  }
0x3: {  	_ = 	snop  }
0x4: {  	_ = 	snop  }
0x5: {  	_ = 	snop  }
0x6: {  	_ = 	snop  }
0x7: {  	_ = 	snop  }
__scs_overlays_trampoline_lowered:
0x8: {  	[smem:$0x3F9F] =	sst s0  }
0x9: {  	[smem:$0x3FA0] =	sst s1  }
0xa: {  	[smem:$0x3FA1] =	sst s2  }
0xb: {  	[smem:$0x3FA2] =	sst s3  }
0xc: {  	[smem:$0x3FA3] =	sst s4  }
0xd: {  	[smem:$0x3FA4] =	sst s5  }
0xe: {  	[smem:$0x3FA5] =	sst s6  }
0xf: {  	[smem:$0x3FA6] =	sst s7  }
0x10: {  	[smem:$0x3FA7] =	sst s8  }
0x11: {  	[smem:$0x3FA8] =	sst s9;
	s0 =	simm.s32 @!p0 $0x0  }
0x12: {  	s1 =	sld [smem:$0x3F8E];
	s0 =	simm.s32 @p0 $0x1  }
0x13: {  	[smem:$0x3FA9] =	sst s0;
	s0 =	simm.s32 @!p1 $0x0  }
0x14: {  	s2 =	sld [smem:$0x3F8D];
	s0 =	simm.s32 @p1 $0x1  }
0x15: {  	[smem:$0x3FAA] =	sst s0;
	s0 =	simm.s32 @!p2 $0x0  }
0x16: {  	s3 =	sld [smem:$0x3FDB];
	s0 =	simm.s32 @p2 $0x1  }
0x17: {  	s4 =	simm.s32 $0x1BF5;
	[smem:$0x3FAC] =	sst s0  }
0x18: {  	s0 =	sld [smem:$0x3F8F];
	_ =	swait.ge [sflag:s4], $0x0  }
0x19: {  	s7 =	sld [smem:$0x3F90]  }
0x1a: {  	s8 =	sadd.s32 $0xFFFFE003, lr  }
0x1b: {  	s9 =	sadd.s32 $0xFFFFFEF7, lr;
	s5 =	simm.s32 $0xFFFFFFFF;
	p2 =	slt.u32 s8, $0xFFFFF086  }
0x1c: {  	p1 =	slt.u32 s9, $0xF7A;
	s5 =	simm.s32 @!p2 $0x0  }
0x1d: {  	s5 =	simm.s32 @p1 $0x1;
	p0 =	seq.s32 s7, s2  }
0x1e: {  	s7 =	smul.u32 @!p0 $0xF7A, s2;
	p2 =	seq.s32 @!p0 s5, $0x0  }
0x1f: {  	s9 =	smul.u32 $0xF7A, s1;
	s8 =	simm.s32 @!p0 $0x1BF5;
	p2 =	por !p2, p0  }
0x20: {  	[sflag:s8] =	ssyncset.s32 @!p0 $0xFFFFF086;
	s6 =	sadd.s32 @!p0 s3, s7;
	s7 =	simm.s32 @!p0 $0x108  }
0x21: {  	s3 =	sadd.s32 s3, s9;
	s6 =	sadd.s32 @!p0 $0x88, s6;
	s7 =	simm.s32 @p2 $0x1082  }
0x22: {  	[simem:s7], [sflag:s8] =	dma.local @!p0 [hbm:s6], $0xF7A  }
0x23: {  	s9 =	sor.u32 $0xD0000000, s2;
	s6 =	simm.s32 $0x108;
	_ =	swait.ge @!p0 [sflag:s8], $0x0  }
0x24: {  	s3 =	sadd.s32 $0x88, s3;
	s6 =	simm.s32 @!p1 $0x1082;
	[sflag:s4] =	ssyncset.s32 $0xFFFFF086  }
0x25: {  	[simem:s6], [sflag:s4] =	dma.local [hbm:s3], $0xF7A  }
0x26: {  	[smem:$0x3F90] =	sst s1;
	(tag) =	ssettag s2;
	_ =	strace s9  }
0x27: {  	s1 =	sld [smem:$0x3FA0]  }
0x28: {  	s2 =	sld [smem:$0x3FA1]  }
0x29: {  	s4 =	sld [smem:$0x3FA3]  }
0x2a: {  	p0 =	seq.s32 s5, $0x0;
	s5 =	sld [smem:$0x3FA4]  }
0x2b: {  	s6 =	sld [smem:$0x3FA5]  }
0x2c: {  	s7 =	sld [smem:$0x3FA6]  }
0x2d: {  	s3 =	simm.s32 $0x108;
	s8 =	sld [smem:$0x3FA7]  }
0x2e: {  	s3 =	simm.s32 @!p0 $0x1082;
	s9 =	sld [smem:$0x3FA8]  }
0x2f: {  	lr =	sadd.s32 s0, s3;
	s0 =	sld [smem:$0x3F9F]  }
0x30: {  	s3 =	sld [smem:$0x3FA2]  }
0x31: {  	[smem:$0x3FAB] =	sst s10  }
0x32: {  	s10 =	sld [smem:$0x3FA9];
	_ =	sdelay $0x3  }
0x33: {  	p0 =	seq.s32 s10, $0x1;
	s10 =	sld [smem:$0x3FAB];
	_ =	sdelay $0x3  }
0x34: {  	[smem:$0x3FAB] =	sst s10  }
0x35: {  	s10 =	sld [smem:$0x3FAA];
	_ =	sdelay $0x3  }
0x36: {  	p1 =	seq.s32 s10, $0x1;
	s10 =	sld [smem:$0x3FAB];
	_ =	sdelay $0x3  }
0x37: {  	[smem:$0x3FAB] =	sst s10  }
0x38: {  	s10 =	sld [smem:$0x3FAC]  }
0x39: {  	_ = 	snop;
	(pc) =	sbr.ind lr, $3  }
0x3a: {  	_ = 	snop  }
0x3b: {  	_ = 	snop  }
0x3c: {  	p2 =	seq.s32 s10, $0x1;
	s10 =	sld [smem:$0x3FAB]  }
0x3d: {  	_ =	shalt  }
0x3e: {  	_ =	shalt  }
0x3f: {  	_ =	shalt  }
0x40: {  	_ =	shalt  }
0x41: {  	_ =	shalt  }
0x42: {  	_ =	shalt  }
0x43: {  	_ =	shalt  }
0x44: {  	_ =	shalt  }
0x45: {  	_ =	shalt  }
0x46: {  	_ =	shalt  }
0x47: {  	_ =	shalt  }
0x48: {  	_ =	shalt  }
0x49: {  	_ =	shalt  }
0x4a: {  	_ =	shalt  }
0x4b: {  	_ =	shalt  }
0x4c: {  	_ =	shalt  }
0x4d: {  	_ =	shalt  }
0x4e: {  	_ =	shalt  }
0x4f: {  	_ =	shalt  }
0x50: {  	_ =	shalt  }
0x51: {  	_ =	shalt  }
0x52: {  	_ =	shalt  }
0x53: {  	_ =	shalt  }
0x54: {  	_ =	shalt  }
0x55: {  	_ =	shalt  }
0x56: {  	_ =	shalt  }
0x57: {  	_ =	shalt  }
0x58: {  	_ =	shalt  }
0x59: {  	_ =	shalt  }
0x5a: {  	_ =	shalt  }
0x5b: {  	_ =	shalt  }
0x5c: {  	_ =	shalt  }
0x5d: {  	_ =	shalt  }
0x5e: {  	_ =	shalt  }
0x5f: {  	_ =	shalt  }
0x60: {  	_ =	shalt  }
0x61: {  	_ =	shalt  }
0x62: {  	_ =	shalt  }
0x63: {  	_ =	shalt  }
0x64: {  	_ =	shalt  }
0x65: {  	_ =	shalt  }
0x66: {  	_ =	shalt  }
0x67: {  	_ =	shalt  }
0x68: {  	_ =	shalt  }
0x69: {  	_ =	shalt  }
0x6a: {  	_ =	shalt  }
0x6b: {  	_ =	shalt  }
0x6c: {  	_ =	shalt  }
0x6d: {  	_ =	shalt  }
0x6e: {  	_ =	shalt  }
0x6f: {  	_ =	shalt  }
0x70: {  	_ =	shalt  }
0x71: {  	_ =	shalt  }
0x72: {  	_ =	shalt  }
0x73: {  	_ =	shalt  }
0x74: {  	_ =	shalt  }
0x75: {  	_ =	shalt  }
0x76: {  	_ =	shalt  }
0x77: {  	_ =	shalt  }
0x78: {  	_ =	shalt  }
0x79: {  	_ =	shalt  }
0x7a: {  	_ =	shalt  }
0x7b: {  	_ =	shalt  }
0x7c: {  	_ =	shalt  }
0x7d: {  	_ =	shalt  }
0x7e: {  	_ =	shalt  }
0x7f: {  	_ =	shalt  }
0x80: {  	_ =	shalt  }
0x81: {  	_ =	shalt  }
0x82: {  	_ =	shalt  }
0x83: {  	_ =	shalt  }
0x84: {  	_ =	shalt  }
0x85: {  	_ =	shalt  }
0x86: {  	_ =	shalt  }
0x87: {  	_ =	shalt  }
.Lfunc_end0:
.L_simem_size_0:
called_computation_lowered:
.L_overlay_start_0:
0x88: {  	s2 =	sld [smem:$0x3FD9]  }
0x89: {  	s3 =	sld [smem:$0x3FFE];
	_ =	sdelay $0x1  }
0x8a: {  	s1 =	srdreg.scid  }
0x8b: {  	s0 =	sand.u32 $0x1, s1  }
0x8c: {  	s16 =	sshll.u32 s0, $0xA;
	s2 =	sadd.s32 s3, s2  }
0x8d: {  	s2 =	sadd.s32 s2, s16  }
0x8e: {  	[smem:$0x3FB7] =	sst s2  }
0x8f: {  	_ = 	snop  }
0x90: {  	(tm) =	ssettm $0x1  }
0x91: {  	s17 =	sld [smem:$0x3FFB];
	_ =	sdelay $0x3  }
0x92: {  	_ =	strace s17  }
0x93: {  	s2 =	sld [smem:$0x3FFC];
	_ =	sdelay $0x3  }
0x94: {  	_ =	strace s2  }
0x95: {  	s2 =	sld [smem:$0x3FFD];
	_ =	sdelay $0x3  }
0x96: {  	_ =	strace s2  }
0x97: {  	_ =	strace $0x8FFFFFFF  }
0x98: {  	s18 =	sld [smem:$0x3FDB];
	_ =	sdelay $0x1  }
0x99: {  	s19 =	simm.s32 $_scs_section_size  }
0x9a: {  	s4 =	simm.s32 $_size__tile_overlayer_lowered;
	s5 =	simm.s32 $_tile_overlayer_lowered  }
0x9b: {  	s22 =	simm.s32 $0x1BFF;
	s21 =	sshll.u32 s5, $0x1;
	s2 =	sadd.s32 s19, s18  }
0x9c: {  	s6 =	simm.s32 $0x0;
	s20 =	sshll.u32 s4, $0x1;
	s4 =	sadd.s32 s21, s2  }
0x9d: {  	[timem:s6], [sflag:s22] =	dma.local [hbm:s4], s20  }
0x9e: {  	_ =	swait.ge [sflag:s22], s20  }
0x9f: {  	s3 =	ssub.s32 $0x0, s20;
	[sflag:s22] =	ssyncset.done $0x0  }
0xa0: {  	[sflag:s22] =	ssyncadd.s32 s3;
	_ =	sdelay $0x1  }
0xa1: {  	s23 =	simm.s32 $0x1B8B  }
0xa2: {  	_ =	swait.ge [sflag:s23], $0x1  }
0xa3: {  	[sflag:s23] =	ssyncset.done $0x0  }
0xa4: {  	s25 =	simm.s32 $0x1B8E;
	s24 =	sld [smem:$0x3FFE];
	[sflag:s23] =	ssyncadd.s32 $0xFFFFFFFF  }
0xa5: {  	s26 =	simm.s32 $execute0_lowered;
	[smem:$0x3FD2] =	sst s25  }
0xa6: {  	s4 =	sshll.u32 s26, $0x1;
	_ =	strace $0x80000046;
	[dreg:$0x1] =	wrdreg $0xFFFFFFFF  }
0xa7: {  	s28 =	simm.s32 $_size_execute0_lowered;
	s2 =	sadd.s32 s2, s4;
	[dreg:$0x0] =	wrdreg $0x0  }
0xa8: {  	s4 =	sshll.u32 s28, $0x1;
	[dreg:$0x2] =	wrdreg s2  }
0xa9: {  	[dreg:$0x3] =	wrdreg s4  }
0xaa: {  	[dreg:$0x4] =	wrdreg $0xC0  }
0xab: {  	_ =	task [dreg:s6], $0x5FFFF  }
0xac: {  	[dreg:$0x1] =	wrdreg $0xFFFFFFFF  }
0xad: {  	[dreg:$0x0] =	wrdreg $0x60  }
0xae: {  	[dreg:$0x2] =	wrdreg s24  }
0xaf: {  	[dreg:$0x3] =	wrdreg $0x9  }
0xb0: {  	_ =	task.clear_ibuf [dreg:s6], $0x4FFFF;
	_ =	strace $0x90000046  }
0xb1: {  	s29 =	simm.s32 $0x9;
	_ =	strace $0x80000048  }
0xb2: {  	_ =	swait.ge [sflag:s29], $0x1  }
0xb3: {  	[sflag:s29] =	ssyncadd.s32 $0xFFFFFFFF  }
0xb4: {  	_ =	strace $0x90000048  }
0xb5: {  	_ =	sfence  }
0xb6: {  	s30 =	sld [smem:$0x0];
	_ =	sdelay $0x2  }
0xb7: {  	s31 =	sshll.u32 s1, $0xD;
	s1 =	sshrl.u32 s1, $0x2  }
0xb8: {  	s3 =	sand.u32 $0x4000, s31;
	s1 =	sadd.s32 s1, s30  }
0xb9: {  	s0 =	sor.u32 s3, s0;
	s1 =	sshll.u32 s1, $0x11  }
0xba: {  	s0 =	sor.u32 s1, s0  }
0xbb: {  	s0 =	sadd.s32 $0x8F2B, s0  }
0xbc: {  	[sflag:s0] =	ssyncadd.remote.s32 $0x1  }
0xbd: {  	_ =	sfence.sel $0xFFFF  }
0xbe: {  	[dreg:$0x0] =	wrdreg $0xFFFFFFFF;
	(pc) =	sbr.abs _section_cstart, $3  }
0xbf: {  	[dreg:$0x1] =	wrdreg $0xFFFFFFFF  }
0xc0: {  	_ =	task.clear_ibuf [dreg:s6], $0x2FFFF;
	_ =	strace $0x9FFFFFFF  }
0xc1: {  	(tm) =	ssettm $0x7FFFFFFF  }
tec
execute0_lowered:
.L_overlay_start_1:
0x0: {  	(tag) =	ssettag $0x1  }
0x1: {  	s4 =	rddreg [dreg:$0x0]  }
0x2: {  	s0 =	rddreg [dreg:$0x1]  }
0x3: {  	s2 =	simm.s32 $0x0;
	s1 =	stileid.u32;
	s3 =	srdreg.scid  }
0x4: {  	s12 =	simm.s32 $0x8B00;
	s13 =	simm.s32 $0x1;
	s14 =	simm.s32 $0x2  }
0x5: {  	s15 =	simm.s32 $0x0;
	[smem:$0x7FF] =	sst s2;
	s5 =	smul.u32 $0x22000, s1  }
0x6: {  	s6 =	sand.u32 $0x1, s3;
	s8 =	smul.u32 $0x2200, s1;
	s3 =	sadd.s32 $0x48000, s4  }
0x7: {  	s11 =	sadd.s32 $0x43C00, s4;
	s7 =	ssub.s32 $0x2, s6;
	s10 =	smul.u32 $0x1100, s6  }
0x8: {  	_ =	strace $0x80000047;
	s6 =	smul.u32 $0x11000, s6;
	s9 =	sshrl.u32 s7, $0x1  }
0x9: {  	s5 =	sadd.s32 s5, s4;
	s7 =	ssub.s32 s7, s9;
	s30 =	sadd.s32 s10, s8  }
0xa: {  	s5 =	sadd.s32 s6, s5;
	s8 =	simm.s32 $0x3;
	s9 =	simm.s32 $0x110  }
0xb: {  	s10 =	simm.s32 $0x300;
	s4 =	smax.u32 s7, $0x1;
	s7 =	sadd.s32 $0x110, s30  }
0xc: {  	s31 =	sshrl.u32 s30, $0x3;
	s5 =	sadd.s32 $0x68000, s5;
	s7 =	sshrl.u32 s7, $0x3  }
0xd: {  	s6 =	sadd.s32 s31, s11;
	s7 =	sadd.s32 s7, s11;
	s11 =	simm.s32 $0x180  }
.LBB2_1:
0xe: {  	s16 =	sadd.s32 $0x0, s6  }
0xf: {  	[tilespmem:s2], [sflag:$0x3] =	stream.linear.gather [hbm4b:s16+s2], $0x110, $0x38;
	[tilespmem:$0x11300] =	vst v63  }
0x10: {  	_ =	swait.ge [sflag:s8], $0x110  }
0x11: {  	[sflag:s8] =	ssyncset.done $0x0  }
0x12: {  	[sflag:s8] =	ssyncadd.s32 $0xFFFFFEF0  }
0x13: {  	[tilespmem:s10], [sflag:$0x1] =	stream.indirect.gather [hbm4b:s3+s9], $0x80, s2, s9, $0xb8;
	[tilespmem:$0x11300] =	vst v63  }
0x14: {  	s30 =	sadd.s32 $0x0, s7  }
0x15: {  	[tilespmem:s11], [sflag:$0x3] =	stream.linear.gather [hbm4b:s30+s2], $0x110, $0x38;
	[tilespmem:$0x11300] =	vst v63  }
0x16: {  	_ =	swait.ge [sflag:s8], $0x110  }
0x17: {  	[sflag:s8] =	ssyncset.done $0x0  }
0x18: {  	[sflag:s8] =	ssyncadd.s32 $0xFFFFFEF0  }
0x19: {  	[tilespmem:s12], [sflag:$0x2] =	stream.indirect.gather [hbm4b:s3+s9], $0x80, s11, s9, $0xb8;
	[tilespmem:$0x11300] =	vst v63  }
0x1a: {  	_ =	swait.ge [sflag:s13], $0x8800  }
0x1b: {  	[sflag:s13] =	ssyncset.done $0x0  }
0x1c: {  	[sflag:s13] =	ssyncadd.s32 $0xFFFF7800  }
0x1d: {  	[hbm4b:s5+s2] =	stream.linear.scatter [tilespmem:s10], [sflag:$0x3], $0x8800, $0x38;
	[tilespmem:$0x11300] =	vst v63  }
0x1e: {  	_ =	swait.ge [sflag:s8], $0x8800  }
0x1f: {  	[sflag:s8] =	ssyncset.done $0x0  }
0x20: {  	[sflag:s8] =	ssyncadd.s32 $0xFFFF7800  }
0x21: {  	_ =	swait.ge [sflag:s14], $0x8800  }
0x22: {  	[sflag:s14] =	ssyncset.done $0x0  }
0x23: {  	s31 =	sadd.s32 $0x1100, s5;
	[sflag:s14] =	ssyncadd.s32 $0xFFFF7800  }
0x24: {  	[hbm4b:s31+s2] =	stream.linear.scatter [tilespmem:s12], [sflag:$0x3], $0x8800, $0x38;
	[tilespmem:$0x11300] =	vst v63  }
0x25: {  	s17 =	simm.s32 $0x44;
	_ =	swait.ge [sflag:s8], $0x8800  }
0x26: {  	s18 =	simm.s32 $0x88;
	s16 =	sadd.s32 $0x2200, s5;
	[sflag:s8] =	ssyncset.done $0x0  }
.LBB2_2:
0x27: {  	s19 =	sadd.s32 s17, s6  }
0x28: {  	[sflag:s8] =	ssyncadd.s32 $0xFFFF7800;
	s20 =	smov.u32 s18;
	s21 =	sadd.s32 $0x44, s18  }
0x29: {  	[tilespmem:s2], [sflag:$0x3] =	stream.linear.gather [hbm4b:s19+s2], $0x110, $0x38;
	[tilespmem:$0x11300] =	vst v63  }
0x2a: {  	p0 =	sne.s32 s18, $0x1DC;
	_ =	swait.ge [sflag:s8], $0x110  }
0x2b: {  	[sflag:s8] =	ssyncset.done $0x0  }
0x2c: {  	[sflag:s8] =	ssyncadd.s32 $0xFFFFFEF0  }
0x2d: {  	[tilespmem:s10], [sflag:$0x1] =	stream.indirect.gather [hbm4b:s3+s9], $0x80, s2, s9, $0xb8;
	[tilespmem:$0x11300] =	vst v63  }
0x2e: {  	s18 =	sadd.s32 s17, s7;
	s17 =	smov.u32 s20  }
0x2f: {  	[tilespmem:s11], [sflag:$0x3] =	stream.linear.gather [hbm4b:s18+s2], $0x110, $0x38;
	[tilespmem:$0x11300] =	vst v63  }
0x30: {  	_ =	swait.ge [sflag:s8], $0x110  }
0x31: {  	[sflag:s8] =	ssyncset.done $0x0  }
0x32: {  	[sflag:s8] =	ssyncadd.s32 $0xFFFFFEF0  }
0x33: {  	[tilespmem:s12], [sflag:$0x2] =	stream.indirect.gather [hbm4b:s3+s9], $0x80, s11, s9, $0xb8;
	[tilespmem:$0x11300] =	vst v63  }
0x34: {  	_ =	swait.ge [sflag:s13], $0x8800  }
0x35: {  	[sflag:s13] =	ssyncset.done $0x0  }
0x36: {  	[sflag:s13] =	ssyncadd.s32 $0xFFFF7800  }
0x37: {  	[hbm4b:s16+s2] =	stream.linear.scatter [tilespmem:s10], [sflag:$0x3], $0x8800, $0x38;
	[tilespmem:$0x11300] =	vst v63  }
0x38: {  	_ =	swait.ge [sflag:s8], $0x8800  }
0x39: {  	[sflag:s8] =	ssyncset.done $0x0  }
0x3a: {  	[sflag:s8] =	ssyncadd.s32 $0xFFFF7800  }
0x3b: {  	_ =	swait.ge [sflag:s14], $0x8800  }
.Ltmp0:
0x3c: {  	[sflag:s14] =	ssyncset.done $0x0;
	(pc) =	sbr.rel @p0 .LBB2_2-.Ltmp0, $4  }
0x3d: {  	s18 =	sadd.s32 $0x1100, s16;
	[sflag:s14] =	ssyncadd.s32 $0xFFFF7800  }
0x3e: {  	[hbm4b:s18+s2] =	stream.linear.scatter [tilespmem:s12], [sflag:$0x3], $0x8800, $0x38;
	[tilespmem:$0x11300] =	vst v63  }
0x3f: {  	_ =	swait.ge [sflag:s8], $0x8800  }
0x40: {  	s16 =	sadd.s32 $0x2200, s16;
	s18 =	smov.u32 s21;
	[sflag:s8] =	ssyncset.done $0x0  }
0x41: {  	s18 =	sadd.s32 s17, s6;
	[sflag:s8] =	ssyncadd.s32 $0xFFFF7800  }
0x42: {  	[tilespmem:s2], [sflag:$0x3] =	stream.linear.gather [hbm4b:s18+s2], $0x110, $0x38;
	[tilespmem:$0x11300] =	vst v63  }
0x43: {  	_ =	swait.ge [sflag:s8], $0x110  }
0x44: {  	[sflag:s8] =	ssyncset.done $0x0  }
0x45: {  	[sflag:s8] =	ssyncadd.s32 $0xFFFFFEF0  }
0x46: {  	[tilespmem:s10], [sflag:$0x1] =	stream.indirect.gather [hbm4b:s3+s9], $0x80, s2, s9, $0xb8;
	[tilespmem:$0x11300] =	vst v63  }
0x47: {  	s30 =	sadd.s32 s17, s7  }
0x48: {  	[tilespmem:s11], [sflag:$0x3] =	stream.linear.gather [hbm4b:s30+s2], $0x110, $0x38;
	[tilespmem:$0x11300] =	vst v63  }
0x49: {  	_ =	swait.ge [sflag:s8], $0x110  }
0x4a: {  	[sflag:s8] =	ssyncset.done $0x0  }
0x4b: {  	[sflag:s8] =	ssyncadd.s32 $0xFFFFFEF0  }
0x4c: {  	[tilespmem:s12], [sflag:$0x2] =	stream.indirect.gather [hbm4b:s3+s9], $0x80, s11, s9, $0xb8;
	[tilespmem:$0x11300] =	vst v63  }
0x4d: {  	_ =	swait.ge [sflag:s13], $0x8800  }
0x4e: {  	[sflag:s13] =	ssyncset.done $0x0  }
0x4f: {  	[sflag:s13] =	ssyncadd.s32 $0xFFFF7800  }
0x50: {  	[hbm4b:s16+s2] =	stream.linear.scatter [tilespmem:s10], [sflag:$0x3], $0x8800, $0x38;
	[tilespmem:$0x11300] =	vst v63  }
0x51: {  	_ =	swait.ge [sflag:s8], $0x8800  }
0x52: {  	[sflag:s8] =	ssyncset.done $0x0  }
0x53: {  	[sflag:s8] =	ssyncadd.s32 $0xFFFF7800  }
0x54: {  	s15 =	sadd.s32 $0x1, s15;
	_ =	swait.ge [sflag:s14], $0x8800  }
0x55: {  	p0 =	sne.s32 s15, s4;
	[sflag:s14] =	ssyncset.done $0x0  }
.Ltmp1:
0x56: {  	s31 =	sadd.s32 $0x1100, s16;
	[sflag:s14] =	ssyncadd.s32 $0xFFFF7800;
	(pc) =	sbr.rel @p0 .LBB2_1-.Ltmp1, $4  }
0x57: {  	[hbm4b:s31+s2] =	stream.linear.scatter [tilespmem:s12], [sflag:$0x3], $0x8800, $0x38;
	[tilespmem:$0x11300] =	vst v63  }
0x58: {  	_ =	swait.ge [sflag:s8], $0x8800  }
0x59: {  	[sflag:s8] =	ssyncset.done $0x0  }
0x5a: {  	[sflag:s8] =	ssyncadd.s32 $0xFFFF7800  }
0x5b: {  	_ =	sfence.sel $0x180000  }
0x5c: {  	[bflag:$0x0] =	sbarrier.arrive $0xFFFF  }
0x5d: {  	p0 =	sne.s32 s1, $0x0;
	_ =	strace $0x90000047  }
0x5e: {  	s0 =	sadd.s32 @!p0 $0x100000, s0;
	[bflag:$0x2] =	sbarrier.arrive $0xFFFF  }
0x5f: {  	[sflag:s0] =	ssyncadd.tile.s32 @!p0 $0x1;
	_ =	shalt  }
.Lfunc_end2:
_tile_overlayer_lowered:
.L_overlay_start_2:
0x60: {  	(tag) =	ssettag $0x2  }
0x61: {  	s0 =	rddreg [dreg:$0x0];
	s2 =	stileid.u32  }
0x62: {  	s1 =	rddreg [dreg:$0x1];
	p0 =	sne.s32 s2, $0x0  }
0x63: {  	s3 =	rddreg [dreg:$0x2];
	[bflag:$0x3] =	sbarrier.arrive $0xFFFF;
	s2 =	simm.s32 @!p0 $0x1C03  }
0x64: {  	[timem:s3], [sflag:s2] =	dma.local @!p0 [hbm:s0], s1  }
0x65: {  	s0 =	simm.s32 @!p0 $0x3  }
0x66: {  	_ =	swait.ge @!p0 [sflag:s0], s1  }
0x67: {  	s1 =	ssub.s32 @!p0 $0x0, s1;
	[sflag:s0] =	ssyncset.done @!p0 $0x0  }
0x68: {  	[sflag:s0] =	ssyncadd.s32 @!p0 s1  }
0x69: {  	[bflag:$0x3] =	sbarrier.arrive $0xFFFF  }
0x6a: {  	_ =	shalt  }

// kernel: kernel.13.cloned.1.call-start
scs
__scs_entry_jumppad:
0x0: {  	(pc) =	sbr.rel $0x88, $3  }
0x1: {  	(tag) =	ssettag $0x0;
	lr =	simm.s32 $0x1  }
0x2: {  	[smem:$0x3F90] =	sst lr;
	_ =	strace $0xD0000000  }
0x3: {  	_ = 	snop  }
0x4: {  	_ = 	snop  }
0x5: {  	_ = 	snop  }
0x6: {  	_ = 	snop  }
0x7: {  	_ = 	snop  }
__scs_overlays_trampoline_lowered:
0x8: {  	[smem:$0x3F9F] =	sst s0  }
0x9: {  	[smem:$0x3FA0] =	sst s1  }
0xa: {  	[smem:$0x3FA1] =	sst s2  }
0xb: {  	[smem:$0x3FA2] =	sst s3  }
0xc: {  	[smem:$0x3FA3] =	sst s4  }
0xd: {  	[smem:$0x3FA4] =	sst s5  }
0xe: {  	[smem:$0x3FA5] =	sst s6  }
0xf: {  	[smem:$0x3FA6] =	sst s7  }
0x10: {  	[smem:$0x3FA7] =	sst s8  }
0x11: {  	[smem:$0x3FA8] =	sst s9;
	s0 =	simm.s32 @!p0 $0x0  }
0x12: {  	s1 =	sld [smem:$0x3F8E];
	s0 =	simm.s32 @p0 $0x1  }
0x13: {  	[smem:$0x3FA9] =	sst s0;
	s0 =	simm.s32 @!p1 $0x0  }
0x14: {  	s2 =	sld [smem:$0x3F8D];
	s0 =	simm.s32 @p1 $0x1  }
0x15: {  	[smem:$0x3FAA] =	sst s0;
	s0 =	simm.s32 @!p2 $0x0  }
0x16: {  	s3 =	sld [smem:$0x3FDB];
	s0 =	simm.s32 @p2 $0x1  }
0x17: {  	s4 =	simm.s32 $0x1BF5;
	[smem:$0x3FAC] =	sst s0  }
0x18: {  	s0 =	sld [smem:$0x3F8F];
	_ =	swait.ge [sflag:s4], $0x0  }
0x19: {  	s7 =	sld [smem:$0x3F90]  }
0x1a: {  	s8 =	sadd.s32 $0xFFFFE003, lr  }
0x1b: {  	s9 =	sadd.s32 $0xFFFFFEF7, lr;
	s5 =	simm.s32 $0xFFFFFFFF;
	p2 =	slt.u32 s8, $0xFFFFF086  }
0x1c: {  	p1 =	slt.u32 s9, $0xF7A;
	s5 =	simm.s32 @!p2 $0x0  }
0x1d: {  	s5 =	simm.s32 @p1 $0x1;
	p0 =	seq.s32 s7, s2  }
0x1e: {  	s7 =	smul.u32 @!p0 $0xF7A, s2;
	p2 =	seq.s32 @!p0 s5, $0x0  }
0x1f: {  	s9 =	smul.u32 $0xF7A, s1;
	s8 =	simm.s32 @!p0 $0x1BF5;
	p2 =	por !p2, p0  }
0x20: {  	[sflag:s8] =	ssyncset.s32 @!p0 $0xFFFFF086;
	s6 =	sadd.s32 @!p0 s3, s7;
	s7 =	simm.s32 @!p0 $0x108  }
0x21: {  	s3 =	sadd.s32 s3, s9;
	s6 =	sadd.s32 @!p0 $0x88, s6;
	s7 =	simm.s32 @p2 $0x1082  }
0x22: {  	[simem:s7], [sflag:s8] =	dma.local @!p0 [hbm:s6], $0xF7A  }
0x23: {  	s9 =	sor.u32 $0xD0000000, s2;
	s6 =	simm.s32 $0x108;
	_ =	swait.ge @!p0 [sflag:s8], $0x0  }
0x24: {  	s3 =	sadd.s32 $0x88, s3;
	s6 =	simm.s32 @!p1 $0x1082;
	[sflag:s4] =	ssyncset.s32 $0xFFFFF086  }
0x25: {  	[simem:s6], [sflag:s4] =	dma.local [hbm:s3], $0xF7A  }
0x26: {  	[smem:$0x3F90] =	sst s1;
	(tag) =	ssettag s2;
	_ =	strace s9  }
0x27: {  	s1 =	sld [smem:$0x3FA0]  }
0x28: {  	s2 =	sld [smem:$0x3FA1]  }
0x29: {  	s4 =	sld [smem:$0x3FA3]  }
0x2a: {  	p0 =	seq.s32 s5, $0x0;
	s5 =	sld [smem:$0x3FA4]  }
0x2b: {  	s6 =	sld [smem:$0x3FA5]  }
0x2c: {  	s7 =	sld [smem:$0x3FA6]  }
0x2d: {  	s3 =	simm.s32 $0x108;
	s8 =	sld [smem:$0x3FA7]  }
0x2e: {  	s3 =	simm.s32 @!p0 $0x1082;
	s9 =	sld [smem:$0x3FA8]  }
0x2f: {  	lr =	sadd.s32 s0, s3;
	s0 =	sld [smem:$0x3F9F]  }
0x30: {  	s3 =	sld [smem:$0x3FA2]  }
0x31: {  	[smem:$0x3FAB] =	sst s10  }
0x32: {  	s10 =	sld [smem:$0x3FA9];
	_ =	sdelay $0x3  }
0x33: {  	p0 =	seq.s32 s10, $0x1;
	s10 =	sld [smem:$0x3FAB];
	_ =	sdelay $0x3  }
0x34: {  	[smem:$0x3FAB] =	sst s10  }
0x35: {  	s10 =	sld [smem:$0x3FAA];
	_ =	sdelay $0x3  }
0x36: {  	p1 =	seq.s32 s10, $0x1;
	s10 =	sld [smem:$0x3FAB];
	_ =	sdelay $0x3  }
0x37: {  	[smem:$0x3FAB] =	sst s10  }
0x38: {  	s10 =	sld [smem:$0x3FAC]  }
0x39: {  	_ = 	snop;
	(pc) =	sbr.ind lr, $3  }
0x3a: {  	_ = 	snop  }
0x3b: {  	_ = 	snop  }
0x3c: {  	p2 =	seq.s32 s10, $0x1;
	s10 =	sld [smem:$0x3FAB]  }
0x3d: {  	_ =	shalt  }
0x3e: {  	_ =	shalt  }
0x3f: {  	_ =	shalt  }
0x40: {  	_ =	shalt  }
0x41: {  	_ =	shalt  }
0x42: {  	_ =	shalt  }
0x43: {  	_ =	shalt  }
0x44: {  	_ =	shalt  }
0x45: {  	_ =	shalt  }
0x46: {  	_ =	shalt  }
0x47: {  	_ =	shalt  }
0x48: {  	_ =	shalt  }
0x49: {  	_ =	shalt  }
0x4a: {  	_ =	shalt  }
0x4b: {  	_ =	shalt  }
0x4c: {  	_ =	shalt  }
0x4d: {  	_ =	shalt  }
0x4e: {  	_ =	shalt  }
0x4f: {  	_ =	shalt  }
0x50: {  	_ =	shalt  }
0x51: {  	_ =	shalt  }
0x52: {  	_ =	shalt  }
0x53: {  	_ =	shalt  }
0x54: {  	_ =	shalt  }
0x55: {  	_ =	shalt  }
0x56: {  	_ =	shalt  }
0x57: {  	_ =	shalt  }
0x58: {  	_ =	shalt  }
0x59: {  	_ =	shalt  }
0x5a: {  	_ =	shalt  }
0x5b: {  	_ =	shalt  }
0x5c: {  	_ =	shalt  }
0x5d: {  	_ =	shalt  }
0x5e: {  	_ =	shalt  }
0x5f: {  	_ =	shalt  }
0x60: {  	_ =	shalt  }
0x61: {  	_ =	shalt  }
0x62: {  	_ =	shalt  }
0x63: {  	_ =	shalt  }
0x64: {  	_ =	shalt  }
0x65: {  	_ =	shalt  }
0x66: {  	_ =	shalt  }
0x67: {  	_ =	shalt  }
0x68: {  	_ =	shalt  }
0x69: {  	_ =	shalt  }
0x6a: {  	_ =	shalt  }
0x6b: {  	_ =	shalt  }
0x6c: {  	_ =	shalt  }
0x6d: {  	_ =	shalt  }
0x6e: {  	_ =	shalt  }
0x6f: {  	_ =	shalt  }
0x70: {  	_ =	shalt  }
0x71: {  	_ =	shalt  }
0x72: {  	_ =	shalt  }
0x73: {  	_ =	shalt  }
0x74: {  	_ =	shalt  }
0x75: {  	_ =	shalt  }
0x76: {  	_ =	shalt  }
0x77: {  	_ =	shalt  }
0x78: {  	_ =	shalt  }
0x79: {  	_ =	shalt  }
0x7a: {  	_ =	shalt  }
0x7b: {  	_ =	shalt  }
0x7c: {  	_ =	shalt  }
0x7d: {  	_ =	shalt  }
0x7e: {  	_ =	shalt  }
0x7f: {  	_ =	shalt  }
0x80: {  	_ =	shalt  }
0x81: {  	_ =	shalt  }
0x82: {  	_ =	shalt  }
0x83: {  	_ =	shalt  }
0x84: {  	_ =	shalt  }
0x85: {  	_ =	shalt  }
0x86: {  	_ =	shalt  }
0x87: {  	_ =	shalt  }
.Lfunc_end0:
.L_simem_size_0:
called_computation.1_lowered:
.L_overlay_start_0:
0x88: {  	s2 =	sld [smem:$0x3FD9]  }
0x89: {  	s3 =	sld [smem:$0x3FFE];
	_ =	sdelay $0x1  }
0x8a: {  	s1 =	srdreg.scid  }
0x8b: {  	s0 =	sand.u32 $0x1, s1  }
0x8c: {  	s17 =	sshll.u32 s0, $0xA;
	s2 =	sadd.s32 s3, s2  }
0x8d: {  	s2 =	sadd.s32 s2, s17  }
0x8e: {  	[smem:$0x3FB7] =	sst s2  }
0x8f: {  	_ = 	snop  }
0x90: {  	(tm) =	ssettm $0x1  }
0x91: {  	s18 =	sld [smem:$0x3FFB];
	_ =	sdelay $0x3  }
0x92: {  	_ =	strace s18  }
0x93: {  	s2 =	sld [smem:$0x3FFC];
	_ =	sdelay $0x3  }
0x94: {  	_ =	strace s2  }
0x95: {  	s2 =	sld [smem:$0x3FFD];
	_ =	sdelay $0x3  }
0x96: {  	_ =	strace s2  }
0x97: {  	_ =	strace $0x8FFFFFFF  }
0x98: {  	s19 =	sld [smem:$0x3FDB];
	_ =	sdelay $0x1  }
0x99: {  	s20 =	simm.s32 $_scs_section_size  }
0x9a: {  	s4 =	simm.s32 $_size__tile_overlayer_lowered;
	s5 =	simm.s32 $_tile_overlayer_lowered  }
0x9b: {  	s6 =	simm.s32 $0x1BFF;
	s21 =	sshll.u32 s5, $0x1;
	s3 =	sadd.s32 s20, s19  }
0x9c: {  	s22 =	simm.s32 $0x0;
	s4 =	sshll.u32 s4, $0x1;
	s5 =	sadd.s32 s21, s3  }
0x9d: {  	[timem:s22], [sflag:s6] =	dma.local [hbm:s5], s4  }
0x9e: {  	_ =	swait.ge [sflag:s6], s4  }
0x9f: {  	s4 =	ssub.s32 $0x0, s4;
	[sflag:s6] =	ssyncset.done $0x0  }
0xa0: {  	[sflag:s6] =	ssyncadd.s32 s4;
	_ =	sdelay $0x1  }
0xa1: {  	s23 =	simm.s32 $0x1B8B  }
0xa2: {  	_ =	swait.ge [sflag:s23], $0x1  }
0xa3: {  	[sflag:s23] =	ssyncset.done $0x0  }
0xa4: {  	[sflag:s23] =	ssyncadd.s32 $0xFFFFFFFF  }
0xa5: {  	s4 =	sld [smem:$0x0]  }
0xa6: {  	s5 =	sand.u32 $0xFFFFFFFE, s1  }
0xa7: {  	p0 =	sne.s32 s1, s5  }
0xa8: {  	s5 =	sshll.u32 @p0 s5, $0xE  }
0xa9: {  	s5 =	sadd.s32 @p0 $0x11B8D, s5;
	s6 =	sshll.u32 @p0 s4, $0x11  }
0xaa: {  	s5 =	sor.u32 @p0 s6, s5  }
0xab: {  	[sflag:s5] =	ssyncadd.remote.s32 @p0 $0x1;
	_ =	sdelay $0x1  }
0xac: {  	s5 =	simm.s32 @p0 $0x1B8D  }
0xad: {  	_ =	swait.eq @p0 [sflag:s5], $0x1  }
0xae: {  	[sflag:s5] =	ssyncadd.s32 @p0 $0xFFFFFFFF  }
0xaf: {  	s6 =	sshll.u32 @!p0 s1, $0xE  }
0xb0: {  	s6 =	sor.u32 @!p0 $0x4000, s6;
	s5 =	simm.s32 @!p0 $0x1B8D  }
0xb1: {  	s4 =	sshll.u32 @!p0 s4, $0x11;
	s6 =	sadd.s32 @!p0 $0x11B8D, s6;
	_ =	swait.eq @!p0 [sflag:s5], $0x1  }
0xb2: {  	s4 =	sor.u32 @!p0 s4, s6;
	[sflag:s5] =	ssyncadd.s32 @!p0 $0xFFFFFFFF  }
0xb3: {  	s25 =	simm.s32 $0x1B8E;
	s24 =	sld [smem:$0x3FFE];
	[sflag:s4] =	ssyncadd.remote.s32 @!p0 $0x1  }
0xb4: {  	s26 =	simm.s32 $execute0_lowered;
	[smem:$0x3FD2] =	sst s25  }
0xb5: {  	s5 =	sshll.u32 s26, $0x1;
	_ =	strace $0x80000049;
	[dreg:$0x1] =	wrdreg $0xFFFFFFFF  }
0xb6: {  	s28 =	simm.s32 $_size_execute0_lowered;
	s3 =	sadd.s32 s3, s5;
	[dreg:$0x0] =	wrdreg $0x0  }
0xb7: {  	s5 =	sshll.u32 s28, $0x1;
	[dreg:$0x2] =	wrdreg s3  }
0xb8: {  	[dreg:$0x3] =	wrdreg s5  }
0xb9: {  	[dreg:$0x4] =	wrdreg $0xC0  }
0xba: {  	_ =	task [dreg:s22], $0x5FFFF  }
0xbb: {  	[dreg:$0x1] =	wrdreg $0xFFFFFFFF  }
0xbc: {  	[dreg:$0x0] =	wrdreg $0x60  }
0xbd: {  	[dreg:$0x2] =	wrdreg s24  }
0xbe: {  	[dreg:$0x3] =	wrdreg $0xA  }
0xbf: {  	_ =	task.clear_ibuf [dreg:s22], $0x4FFFF;
	_ =	strace $0x90000049  }
0xc0: {  	s29 =	simm.s32 $0xA;
	_ =	strace $0x8000004B  }
0xc1: {  	_ =	swait.ge [sflag:s29], $0x1  }
0xc2: {  	[sflag:s29] =	ssyncadd.s32 $0xFFFFFFFF  }
0xc3: {  	_ =	strace $0x9000004B  }
0xc4: {  	_ =	sfence  }
0xc5: {  	s30 =	sld [smem:$0x0];
	_ =	sdelay $0x2  }
0xc6: {  	s31 =	sshll.u32 s1, $0xD;
	s1 =	sshrl.u32 s1, $0x2  }
0xc7: {  	s4 =	sand.u32 $0x4000, s31;
	s1 =	sadd.s32 s1, s30  }
0xc8: {  	s0 =	sor.u32 s4, s0;
	s1 =	sshll.u32 s1, $0x11  }
0xc9: {  	s0 =	sor.u32 s1, s0  }
0xca: {  	s0 =	sadd.s32 $0x8F2B, s0  }
0xcb: {  	[sflag:s0] =	ssyncadd.remote.s32 $0x1  }
0xcc: {  	_ =	sfence.sel $0xFFFF  }
0xcd: {  	[dreg:$0x0] =	wrdreg $0xFFFFFFFF;
	(pc) =	sbr.abs _section_cstart, $3  }
0xce: {  	[dreg:$0x1] =	wrdreg $0xFFFFFFFF  }
0xcf: {  	_ =	task.clear_ibuf [dreg:s22], $0x2FFFF;
	_ =	strace $0x9FFFFFFF  }
0xd0: {  	(tm) =	ssettm $0x7FFFFFFF  }
0xd1: {  	_ =	shalt  }
tec
execute0_lowered:
.L_overlay_start_1:
0x0: {  	(tag) =	ssettag $0x1  }
0x1: {  	s4 =	rddreg [dreg:$0x0]  }
0x2: {  	s0 =	rddreg [dreg:$0x1]  }
0x3: {  	s2 =	simm.s32 $0x0;
	s1 =	stileid.u32;
	s3 =	srdreg.scid  }
0x4: {  	s12 =	simm.s32 $0x8B00;
	s13 =	simm.s32 $0x1;
	s14 =	simm.s32 $0x2  }
0x5: {  	s15 =	simm.s32 $0x0;
	[smem:$0x7FF] =	sst s2;
	s5 =	smul.u32 $0x22000, s1  }
0x6: {  	s6 =	sand.u32 $0x1, s3;
	s8 =	smul.u32 $0x2200, s1;
	s3 =	sadd.s32 $0x23C00, s4  }
0x7: {  	s11 =	sadd.s32 $0x43C00, s4;
	s7 =	ssub.s32 $0x2, s6;
	s10 =	smul.u32 $0x1100, s6  }
0x8: {  	_ =	strace $0x8000004A;
	s6 =	smul.u32 $0x11000, s6;
	s9 =	sshrl.u32 s7, $0x1  }
0x9: {  	s5 =	sadd.s32 s5, s4;
	s7 =	ssub.s32 s7, s9;
	s30 =	sadd.s32 s10, s8  }
0xa: {  	s5 =	sadd.s32 s6, s5;
	s8 =	simm.s32 $0x3;
	s9 =	simm.s32 $0x110  }
0xb: {  	s10 =	simm.s32 $0x300;
	s4 =	smax.u32 s7, $0x1;
	s7 =	sadd.s32 $0x110, s30  }
0xc: {  	s31 =	sshrl.u32 s30, $0x3;
	s5 =	sadd.s32 $0x288000, s5;
	s7 =	sshrl.u32 s7, $0x3  }
0xd: {  	s6 =	sadd.s32 s31, s11;
	s7 =	sadd.s32 s7, s11;
	s11 =	simm.s32 $0x180  }
.LBB2_1:
0xe: {  	s16 =	sadd.s32 $0x0, s6  }
0xf: {  	[tilespmem:s2], [sflag:$0x3] =	stream.linear.gather [hbm4b:s16+s2], $0x110, $0x38;
	[tilespmem:$0x11300] =	vst v63  }
0x10: {  	_ =	swait.ge [sflag:s8], $0x110  }
0x11: {  	[sflag:s8] =	ssyncset.done $0x0  }
0x12: {  	[sflag:s8] =	ssyncadd.s32 $0xFFFFFEF0  }
0x13: {  	[tilespmem:s10], [sflag:$0x1] =	stream.indirect.gather [hbm4b:s3+s9], $0x80, s2, s9, $0xb8;
	[tilespmem:$0x11300] =	vst v63  }
0x14: {  	s30 =	sadd.s32 $0x0, s7  }
0x15: {  	[tilespmem:s11], [sflag:$0x3] =	stream.linear.gather [hbm4b:s30+s2], $0x110, $0x38;
	[tilespmem:$0x11300] =	vst v63  }
0x16: {  	_ =	swait.ge [sflag:s8], $0x110  }
0x17: {  	[sflag:s8] =	ssyncset.done $0x0  }
0x18: {  	[sflag:s8] =	ssyncadd.s32 $0xFFFFFEF0  }
0x19: {  	[tilespmem:s12], [sflag:$0x2] =	stream.indirect.gather [hbm4b:s3+s9], $0x80, s11, s9, $0xb8;
	[tilespmem:$0x11300] =	vst v63  }
0x1a: {  	_ =	swait.ge [sflag:s13], $0x8800  }
0x1b: {  	[sflag:s13] =	ssyncset.done $0x0  }
0x1c: {  	[sflag:s13] =	ssyncadd.s32 $0xFFFF7800  }
0x1d: {  	[hbm4b:s5+s2] =	stream.linear.scatter [tilespmem:s10], [sflag:$0x3], $0x8800, $0x38;
	[tilespmem:$0x11300] =	vst v63  }
0x1e: {  	_ =	swait.ge [sflag:s8], $0x8800  }
0x1f: {  	[sflag:s8] =	ssyncset.done $0x0  }
0x20: {  	[sflag:s8] =	ssyncadd.s32 $0xFFFF7800  }
0x21: {  	_ =	swait.ge [sflag:s14], $0x8800  }
0x22: {  	[sflag:s14] =	ssyncset.done $0x0  }
0x23: {  	s31 =	sadd.s32 $0x1100, s5;
	[sflag:s14] =	ssyncadd.s32 $0xFFFF7800  }
0x24: {  	[hbm4b:s31+s2] =	stream.linear.scatter [tilespmem:s12], [sflag:$0x3], $0x8800, $0x38;
	[tilespmem:$0x11300] =	vst v63  }
0x25: {  	s17 =	simm.s32 $0x44;
	_ =	swait.ge [sflag:s8], $0x8800  }
0x26: {  	s18 =	simm.s32 $0x88;
	s16 =	sadd.s32 $0x2200, s5;
	[sflag:s8] =	ssyncset.done $0x0  }
.LBB2_2:
0x27: {  	s19 =	sadd.s32 s17, s6  }
0x28: {  	[sflag:s8] =	ssyncadd.s32 $0xFFFF7800;
	s20 =	smov.u32 s18;
	s21 =	sadd.s32 $0x44, s18  }
0x29: {  	[tilespmem:s2], [sflag:$0x3] =	stream.linear.gather [hbm4b:s19+s2], $0x110, $0x38;
	[tilespmem:$0x11300] =	vst v63  }
0x2a: {  	p0 =	sne.s32 s18, $0x1DC;
	_ =	swait.ge [sflag:s8], $0x110  }
0x2b: {  	[sflag:s8] =	ssyncset.done $0x0  }
0x2c: {  	[sflag:s8] =	ssyncadd.s32 $0xFFFFFEF0  }
0x2d: {  	[tilespmem:s10], [sflag:$0x1] =	stream.indirect.gather [hbm4b:s3+s9], $0x80, s2, s9, $0xb8;
	[tilespmem:$0x11300] =	vst v63  }
0x2e: {  	s18 =	sadd.s32 s17, s7;
	s17 =	smov.u32 s20  }
0x2f: {  	[tilespmem:s11], [sflag:$0x3] =	stream.linear.gather [hbm4b:s18+s2], $0x110, $0x38;
	[tilespmem:$0x11300] =	vst v63  }
0x30: {  	_ =	swait.ge [sflag:s8], $0x110  }
0x31: {  	[sflag:s8] =	ssyncset.done $0x0  }
0x32: {  	[sflag:s8] =	ssyncadd.s32 $0xFFFFFEF0  }
0x33: {  	[tilespmem:s12], [sflag:$0x2] =	stream.indirect.gather [hbm4b:s3+s9], $0x80, s11, s9, $0xb8;
	[tilespmem:$0x11300] =	vst v63  }
0x34: {  	_ =	swait.ge [sflag:s13], $0x8800  }
0x35: {  	[sflag:s13] =	ssyncset.done $0x0  }
0x36: {  	[sflag:s13] =	ssyncadd.s32 $0xFFFF7800  }
0x37: {  	[hbm4b:s16+s2] =	stream.linear.scatter [tilespmem:s10], [sflag:$0x3], $0x8800, $0x38;
	[tilespmem:$0x11300] =	vst v63  }
0x38: {  	_ =	swait.ge [sflag:s8], $0x8800  }
0x39: {  	[sflag:s8] =	ssyncset.done $0x0  }
0x3a: {  	[sflag:s8] =	ssyncadd.s32 $0xFFFF7800  }
0x3b: {  	_ =	swait.ge [sflag:s14], $0x8800  }
.Ltmp0:
0x3c: {  	[sflag:s14] =	ssyncset.done $0x0;
	(pc) =	sbr.rel @p0 .LBB2_2-.Ltmp0, $4  }
0x3d: {  	s18 =	sadd.s32 $0x1100, s16;
	[sflag:s14] =	ssyncadd.s32 $0xFFFF7800  }
0x3e: {  	[hbm4b:s18+s2] =	stream.linear.scatter [tilespmem:s12], [sflag:$0x3], $0x8800, $0x38;
	[tilespmem:$0x11300] =	vst v63  }
0x3f: {  	_ =	swait.ge [sflag:s8], $0x8800  }
0x40: {  	s16 =	sadd.s32 $0x2200, s16;
	s18 =	smov.u32 s21;
	[sflag:s8] =	ssyncset.done $0x0  }
0x41: {  	s18 =	sadd.s32 s17, s6;
	[sflag:s8] =	ssyncadd.s32 $0xFFFF7800  }
0x42: {  	[tilespmem:s2], [sflag:$0x3] =	stream.linear.gather [hbm4b:s18+s2], $0x110, $0x38;
	[tilespmem:$0x11300] =	vst v63  }
0x43: {  	_ =	swait.ge [sflag:s8], $0x110  }
0x44: {  	[sflag:s8] =	ssyncset.done $0x0  }
0x45: {  	[sflag:s8] =	ssyncadd.s32 $0xFFFFFEF0  }
0x46: {  	[tilespmem:s10], [sflag:$0x1] =	stream.indirect.gather [hbm4b:s3+s9], $0x80, s2, s9, $0xb8;
	[tilespmem:$0x11300] =	vst v63  }
0x47: {  	s30 =	sadd.s32 s17, s7  }
0x48: {  	[tilespmem:s11], [sflag:$0x3] =	stream.linear.gather [hbm4b:s30+s2], $0x110, $0x38;
	[tilespmem:$0x11300] =	vst v63  }
0x49: {  	_ =	swait.ge [sflag:s8], $0x110  }
0x4a: {  	[sflag:s8] =	ssyncset.done $0x0  }
0x4b: {  	[sflag:s8] =	ssyncadd.s32 $0xFFFFFEF0  }
0x4c: {  	[tilespmem:s12], [sflag:$0x2] =	stream.indirect.gather [hbm4b:s3+s9], $0x80, s11, s9, $0xb8;
	[tilespmem:$0x11300] =	vst v63  }
0x4d: {  	_ =	swait.ge [sflag:s13], $0x8800  }
0x4e: {  	[sflag:s13] =	ssyncset.done $0x0  }
0x4f: {  	[sflag:s13] =	ssyncadd.s32 $0xFFFF7800  }
0x50: {  	[hbm4b:s16+s2] =	stream.linear.scatter [tilespmem:s10], [sflag:$0x3], $0x8800, $0x38;
	[tilespmem:$0x11300] =	vst v63  }
0x51: {  	_ =	swait.ge [sflag:s8], $0x8800  }
0x52: {  	[sflag:s8] =	ssyncset.done $0x0  }
0x53: {  	[sflag:s8] =	ssyncadd.s32 $0xFFFF7800  }
0x54: {  	s15 =	sadd.s32 $0x1, s15;
	_ =	swait.ge [sflag:s14], $0x8800  }
0x55: {  	p0 =	sne.s32 s15, s4;
	[sflag:s14] =	ssyncset.done $0x0  }
.Ltmp1:
0x56: {  	s31 =	sadd.s32 $0x1100, s16;
	[sflag:s14] =	ssyncadd.s32 $0xFFFF7800;
	(pc) =	sbr.rel @p0 .LBB2_1-.Ltmp1, $4  }
0x57: {  	[hbm4b:s31+s2] =	stream.linear.scatter [tilespmem:s12], [sflag:$0x3], $0x8800, $0x38;
	[tilespmem:$0x11300] =	vst v63  }
0x58: {  	_ =	swait.ge [sflag:s8], $0x8800  }
0x59: {  	[sflag:s8] =	ssyncset.done $0x0  }
0x5a: {  	[sflag:s8] =	ssyncadd.s32 $0xFFFF7800  }
0x5b: {  	_ =	sfence.sel $0x180000  }
0x5c: {  	[bflag:$0x0] =	sbarrier.arrive $0xFFFF  }
0x5d: {  	p0 =	sne.s32 s1, $0x0;
	_ =	strace $0x9000004A  }
0x5e: {  	s0 =	sadd.s32 @!p0 $0x100000, s0;
	[bflag:$0x2] =	sbarrier.arrive $0xFFFF  }
0x5f: {  	[sflag:s0] =	ssyncadd.tile.s32 @!p0 $0x1;
	_ =	shalt  }
.Lfunc_end2:
_tile_overlayer_lowered:
.L_overlay_start_2:
0x60: {  	(tag) =	ssettag $0x2  }
0x61: {  	s0 =	rddreg [dreg:$0x0];
	s2 =	stileid.u32  }
0x62: {  	s1 =	rddreg [dreg:$0x1];
	p0 =	sne.s32 s2, $0x0  }
0x63: {  	s3 =	rddreg [dreg:$0x2];
	[bflag:$0x3] =	sbarrier.arrive $0xFFFF;
	s2 =	simm.s32 @!p0 $0x1C03  }
0x64: {  	[timem:s3], [sflag:s2] =	dma.local @!p0 [hbm:s0], s1  }
0x65: {  	s0 =	simm.s32 @!p0 $0x3  }
0x66: {  	_ =	swait.ge @!p0 [sflag:s0], s1  }
0x67: {  	s1 =	ssub.s32 @!p0 $0x0, s1;
	[sflag:s0] =	ssyncset.done @!p0 $0x0  }
0x68: {  	[sflag:s0] =	ssyncadd.s32 @!p0 s1  }
0x69: {  	[bflag:$0x3] =	sbarrier.arrive $0xFFFF  }
0x6a: {  	_ =	shalt  }

// kernel: kernel.16.cloned.1.call-start
scs
__scs_entry_jumppad:
0x0: {  	(pc) =	sbr.rel $0x88, $3  }
0x1: {  	(tag) =	ssettag $0x0;
	lr =	simm.s32 $0x1  }
0x2: {  	[smem:$0x3F90] =	sst lr;
	_ =	strace $0xD0000000  }
0x3: {  	_ = 	snop  }
0x4: {  	_ = 	snop  }
0x5: {  	_ = 	snop  }
0x6: {  	_ = 	snop  }
0x7: {  	_ = 	snop  }
__scs_overlays_trampoline_lowered:
0x8: {  	[smem:$0x3F9F] =	sst s0  }
0x9: {  	[smem:$0x3FA0] =	sst s1  }
0xa: {  	[smem:$0x3FA1] =	sst s2  }
0xb: {  	[smem:$0x3FA2] =	sst s3  }
0xc: {  	[smem:$0x3FA3] =	sst s4  }
0xd: {  	[smem:$0x3FA4] =	sst s5  }
0xe: {  	[smem:$0x3FA5] =	sst s6  }
0xf: {  	[smem:$0x3FA6] =	sst s7  }
0x10: {  	[smem:$0x3FA7] =	sst s8  }
0x11: {  	[smem:$0x3FA8] =	sst s9;
	s0 =	simm.s32 @!p0 $0x0  }
0x12: {  	s1 =	sld [smem:$0x3F8E];
	s0 =	simm.s32 @p0 $0x1  }
0x13: {  	[smem:$0x3FA9] =	sst s0;
	s0 =	simm.s32 @!p1 $0x0  }
0x14: {  	s2 =	sld [smem:$0x3F8D];
	s0 =	simm.s32 @p1 $0x1  }
0x15: {  	[smem:$0x3FAA] =	sst s0;
	s0 =	simm.s32 @!p2 $0x0  }
0x16: {  	s3 =	sld [smem:$0x3FDB];
	s0 =	simm.s32 @p2 $0x1  }
0x17: {  	s4 =	simm.s32 $0x1BF5;
	[smem:$0x3FAC] =	sst s0  }
0x18: {  	s0 =	sld [smem:$0x3F8F];
	_ =	swait.ge [sflag:s4], $0x0  }
0x19: {  	s7 =	sld [smem:$0x3F90]  }
0x1a: {  	s8 =	sadd.s32 $0xFFFFE003, lr  }
0x1b: {  	s9 =	sadd.s32 $0xFFFFFEF7, lr;
	s5 =	simm.s32 $0xFFFFFFFF;
	p2 =	slt.u32 s8, $0xFFFFF086  }
0x1c: {  	p1 =	slt.u32 s9, $0xF7A;
	s5 =	simm.s32 @!p2 $0x0  }
0x1d: {  	s5 =	simm.s32 @p1 $0x1;
	p0 =	seq.s32 s7, s2  }
0x1e: {  	s7 =	smul.u32 @!p0 $0xF7A, s2;
	p2 =	seq.s32 @!p0 s5, $0x0  }
0x1f: {  	s9 =	smul.u32 $0xF7A, s1;
	s8 =	simm.s32 @!p0 $0x1BF5;
	p2 =	por !p2, p0  }
0x20: {  	[sflag:s8] =	ssyncset.s32 @!p0 $0xFFFFF086;
	s6 =	sadd.s32 @!p0 s3, s7;
	s7 =	simm.s32 @!p0 $0x108  }
0x21: {  	s3 =	sadd.s32 s3, s9;
	s6 =	sadd.s32 @!p0 $0x88, s6;
	s7 =	simm.s32 @p2 $0x1082  }
0x22: {  	[simem:s7], [sflag:s8] =	dma.local @!p0 [hbm:s6], $0xF7A  }
0x23: {  	s9 =	sor.u32 $0xD0000000, s2;
	s6 =	simm.s32 $0x108;
	_ =	swait.ge @!p0 [sflag:s8], $0x0  }
0x24: {  	s3 =	sadd.s32 $0x88, s3;
	s6 =	simm.s32 @!p1 $0x1082;
	[sflag:s4] =	ssyncset.s32 $0xFFFFF086  }
0x25: {  	[simem:s6], [sflag:s4] =	dma.local [hbm:s3], $0xF7A  }
0x26: {  	[smem:$0x3F90] =	sst s1;
	(tag) =	ssettag s2;
	_ =	strace s9  }
0x27: {  	s1 =	sld [smem:$0x3FA0]  }
0x28: {  	s2 =	sld [smem:$0x3FA1]  }
0x29: {  	s4 =	sld [smem:$0x3FA3]  }
0x2a: {  	p0 =	seq.s32 s5, $0x0;
	s5 =	sld [smem:$0x3FA4]  }
0x2b: {  	s6 =	sld [smem:$0x3FA5]  }
0x2c: {  	s7 =	sld [smem:$0x3FA6]  }
0x2d: {  	s3 =	simm.s32 $0x108;
	s8 =	sld [smem:$0x3FA7]  }
0x2e: {  	s3 =	simm.s32 @!p0 $0x1082;
	s9 =	sld [smem:$0x3FA8]  }
0x2f: {  	lr =	sadd.s32 s0, s3;
	s0 =	sld [smem:$0x3F9F]  }
0x30: {  	s3 =	sld [smem:$0x3FA2]  }
0x31: {  	[smem:$0x3FAB] =	sst s10  }
0x32: {  	s10 =	sld [smem:$0x3FA9];
	_ =	sdelay $0x3  }
0x33: {  	p0 =	seq.s32 s10, $0x1;
	s10 =	sld [smem:$0x3FAB];
	_ =	sdelay $0x3  }
0x34: {  	[smem:$0x3FAB] =	sst s10  }
0x35: {  	s10 =	sld [smem:$0x3FAA];
	_ =	sdelay $0x3  }
0x36: {  	p1 =	seq.s32 s10, $0x1;
	s10 =	sld [smem:$0x3FAB];
	_ =	sdelay $0x3  }
0x37: {  	[smem:$0x3FAB] =	sst s10  }
0x38: {  	s10 =	sld [smem:$0x3FAC]  }
0x39: {  	_ = 	snop;
	(pc) =	sbr.ind lr, $3  }
0x3a: {  	_ = 	snop  }
0x3b: {  	_ = 	snop  }
0x3c: {  	p2 =	seq.s32 s10, $0x1;
	s10 =	sld [smem:$0x3FAB]  }
0x3d: {  	_ =	shalt  }
0x3e: {  	_ =	shalt  }
0x3f: {  	_ =	shalt  }
0x40: {  	_ =	shalt  }
0x41: {  	_ =	shalt  }
0x42: {  	_ =	shalt  }
0x43: {  	_ =	shalt  }
0x44: {  	_ =	shalt  }
0x45: {  	_ =	shalt  }
0x46: {  	_ =	shalt  }
0x47: {  	_ =	shalt  }
0x48: {  	_ =	shalt  }
0x49: {  	_ =	shalt  }
0x4a: {  	_ =	shalt  }
0x4b: {  	_ =	shalt  }
0x4c: {  	_ =	shalt  }
0x4d: {  	_ =	shalt  }
0x4e: {  	_ =	shalt  }
0x4f: {  	_ =	shalt  }
0x50: {  	_ =	shalt  }
0x51: {  	_ =	shalt  }
0x52: {  	_ =	shalt  }
0x53: {  	_ =	shalt  }
0x54: {  	_ =	shalt  }
0x55: {  	_ =	shalt  }
0x56: {  	_ =	shalt  }
0x57: {  	_ =	shalt  }
0x58: {  	_ =	shalt  }
0x59: {  	_ =	shalt  }
0x5a: {  	_ =	shalt  }
0x5b: {  	_ =	shalt  }
0x5c: {  	_ =	shalt  }
0x5d: {  	_ =	shalt  }
0x5e: {  	_ =	shalt  }
0x5f: {  	_ =	shalt  }
0x60: {  	_ =	shalt  }
0x61: {  	_ =	shalt  }
0x62: {  	_ =	shalt  }
0x63: {  	_ =	shalt  }
0x64: {  	_ =	shalt  }
0x65: {  	_ =	shalt  }
0x66: {  	_ =	shalt  }
0x67: {  	_ =	shalt  }
0x68: {  	_ =	shalt  }
0x69: {  	_ =	shalt  }
0x6a: {  	_ =	shalt  }
0x6b: {  	_ =	shalt  }
0x6c: {  	_ =	shalt  }
0x6d: {  	_ =	shalt  }
0x6e: {  	_ =	shalt  }
0x6f: {  	_ =	shalt  }
0x70: {  	_ =	shalt  }
0x71: {  	_ =	shalt  }
0x72: {  	_ =	shalt  }
0x73: {  	_ =	shalt  }
0x74: {  	_ =	shalt  }
0x75: {  	_ =	shalt  }
0x76: {  	_ =	shalt  }
0x77: {  	_ =	shalt  }
0x78: {  	_ =	shalt  }
0x79: {  	_ =	shalt  }
0x7a: {  	_ =	shalt  }
0x7b: {  	_ =	shalt  }
0x7c: {  	_ =	shalt  }
0x7d: {  	_ =	shalt  }
0x7e: {  	_ =	shalt  }
0x7f: {  	_ =	shalt  }
0x80: {  	_ =	shalt  }
0x81: {  	_ =	shalt  }
0x82: {  	_ =	shalt  }
0x83: {  	_ =	shalt  }
0x84: {  	_ =	shalt  }
0x85: {  	_ =	shalt  }
0x86: {  	_ =	shalt  }
0x87: {  	_ =	shalt  }
.Lfunc_end0:
.L_simem_size_0:
called_computation.2_lowered:
.L_overlay_start_0:
0x88: {  	s2 =	sld [smem:$0x3FD9]  }
0x89: {  	s3 =	sld [smem:$0x3FFE];
	_ =	sdelay $0x1  }
0x8a: {  	s1 =	srdreg.scid  }
0x8b: {  	s0 =	sand.u32 $0x1, s1  }
0x8c: {  	s16 =	sshll.u32 s0, $0xA;
	s2 =	sadd.s32 s3, s2  }
0x8d: {  	s2 =	sadd.s32 s2, s16  }
0x8e: {  	[smem:$0x3FB7] =	sst s2  }
0x8f: {  	_ = 	snop  }
0x90: {  	(tm) =	ssettm $0x1  }
0x91: {  	s17 =	sld [smem:$0x3FFB];
	_ =	sdelay $0x3  }
0x92: {  	_ =	strace s17  }
0x93: {  	s2 =	sld [smem:$0x3FFC];
	_ =	sdelay $0x3  }
0x94: {  	_ =	strace s2  }
0x95: {  	s2 =	sld [smem:$0x3FFD];
	_ =	sdelay $0x3  }
0x96: {  	_ =	strace s2  }
0x97: {  	_ =	strace $0x8FFFFFFF  }
0x98: {  	s18 =	sld [smem:$0x3FDB];
	_ =	sdelay $0x1  }
0x99: {  	s19 =	simm.s32 $_scs_section_size  }
0x9a: {  	s4 =	simm.s32 $_size__tile_overlayer_lowered;
	s5 =	simm.s32 $_tile_overlayer_lowered  }
0x9b: {  	s22 =	simm.s32 $0x1BFF;
	s21 =	sshll.u32 s5, $0x1;
	s2 =	sadd.s32 s19, s18  }
0x9c: {  	s6 =	simm.s32 $0x0;
	s20 =	sshll.u32 s4, $0x1;
	s4 =	sadd.s32 s21, s2  }
0x9d: {  	[timem:s6], [sflag:s22] =	dma.local [hbm:s4], s20  }
0x9e: {  	_ =	swait.ge [sflag:s22], s20  }
0x9f: {  	s3 =	ssub.s32 $0x0, s20;
	[sflag:s22] =	ssyncset.done $0x0  }
0xa0: {  	[sflag:s22] =	ssyncadd.s32 s3;
	_ =	sdelay $0x1  }
0xa1: {  	s23 =	simm.s32 $0x1B8B  }
0xa2: {  	_ =	swait.ge [sflag:s23], $0x1  }
0xa3: {  	[sflag:s23] =	ssyncset.done $0x0  }
0xa4: {  	s25 =	simm.s32 $0x1B8E;
	s24 =	sld [smem:$0x3FFE];
	[sflag:s23] =	ssyncadd.s32 $0xFFFFFFFF  }
0xa5: {  	s26 =	simm.s32 $execute0_lowered;
	[smem:$0x3FD2] =	sst s25  }
0xa6: {  	s4 =	sshll.u32 s26, $0x1;
	_ =	strace $0x8000004C;
	[dreg:$0x1] =	wrdreg $0xFFFFFFFF  }
0xa7: {  	s28 =	simm.s32 $_size_execute0_lowered;
	s2 =	sadd.s32 s2, s4;
	[dreg:$0x0] =	wrdreg $0x0  }
0xa8: {  	s4 =	sshll.u32 s28, $0x1;
	[dreg:$0x2] =	wrdreg s2  }
0xa9: {  	[dreg:$0x3] =	wrdreg s4  }
0xaa: {  	[dreg:$0x4] =	wrdreg $0xC0  }
0xab: {  	_ =	task [dreg:s6], $0x5FFFF  }
0xac: {  	[dreg:$0x1] =	wrdreg $0xFFFFFFFF  }
0xad: {  	[dreg:$0x0] =	wrdreg $0x60  }
0xae: {  	[dreg:$0x2] =	wrdreg s24  }
0xaf: {  	[dreg:$0x3] =	wrdreg $0x9  }
0xb0: {  	_ =	task.clear_ibuf [dreg:s6], $0x4FFFF;
	_ =	strace $0x9000004C  }
0xb1: {  	s29 =	simm.s32 $0x9;
	_ =	strace $0x8000004E  }
0xb2: {  	_ =	swait.ge [sflag:s29], $0x1  }
0xb3: {  	[sflag:s29] =	ssyncadd.s32 $0xFFFFFFFF  }
0xb4: {  	_ =	strace $0x9000004E  }
0xb5: {  	_ =	sfence  }
0xb6: {  	s30 =	sld [smem:$0x0];
	_ =	sdelay $0x2  }
0xb7: {  	s31 =	sshll.u32 s1, $0xD;
	s1 =	sshrl.u32 s1, $0x2  }
0xb8: {  	s3 =	sand.u32 $0x4000, s31;
	s1 =	sadd.s32 s1, s30  }
0xb9: {  	s0 =	sor.u32 s3, s0;
	s1 =	sshll.u32 s1, $0x11  }
0xba: {  	s0 =	sor.u32 s1, s0  }
0xbb: {  	s0 =	sadd.s32 $0x8F2B, s0  }
0xbc: {  	[sflag:s0] =	ssyncadd.remote.s32 $0x1  }
0xbd: {  	_ =	sfence.sel $0xFFFF  }
0xbe: {  	[dreg:$0x0] =	wrdreg $0xFFFFFFFF;
	(pc) =	sbr.abs _section_cstart, $3  }
0xbf: {  	[dreg:$0x1] =	wrdreg $0xFFFFFFFF  }
0xc0: {  	_ =	task.clear_ibuf [dreg:s6], $0x2FFFF;
	_ =	strace $0x9FFFFFFF  }
0xc1: {  	(tm) =	ssettm $0x7FFFFFFF  }
tec
execute0_lowered:
.L_overlay_start_1:
0x0: {  	(tag) =	ssettag $0x1  }
0x1: {  	s4 =	rddreg [dreg:$0x0]  }
0x2: {  	s0 =	rddreg [dreg:$0x1]  }
0x3: {  	s2 =	simm.s32 $0x0;
	s1 =	stileid.u32;
	s3 =	srdreg.scid  }
0x4: {  	s12 =	simm.s32 $0x8B00;
	s13 =	simm.s32 $0x1;
	s14 =	simm.s32 $0x2  }
0x5: {  	s15 =	simm.s32 $0x0;
	[smem:$0x7FF] =	sst s2;
	s5 =	smul.u32 $0x22000, s1  }
0x6: {  	s6 =	sand.u32 $0x1, s3;
	s8 =	smul.u32 $0x2200, s1;
	s3 =	sadd.s32 $0x48000, s4  }
0x7: {  	s11 =	sadd.s32 $0x43C00, s4;
	s7 =	ssub.s32 $0x2, s6;
	s10 =	smul.u32 $0x1100, s6  }
0x8: {  	_ =	strace $0x8000004D;
	s6 =	smul.u32 $0x11000, s6;
	s9 =	sshrl.u32 s7, $0x1  }
0x9: {  	s5 =	sadd.s32 s5, s4;
	s7 =	ssub.s32 s7, s9;
	s30 =	sadd.s32 s10, s8  }
0xa: {  	s5 =	sadd.s32 s6, s5;
	s8 =	simm.s32 $0x3;
	s9 =	simm.s32 $0x110  }
0xb: {  	s10 =	simm.s32 $0x300;
	s4 =	smax.u32 s7, $0x1;
	s7 =	sadd.s32 $0x110, s30  }
0xc: {  	s31 =	sshrl.u32 s30, $0x3;
	s5 =	sadd.s32 $0x288000, s5;
	s7 =	sshrl.u32 s7, $0x3  }
0xd: {  	s6 =	sadd.s32 s31, s11;
	s7 =	sadd.s32 s7, s11;
	s11 =	simm.s32 $0x180  }
.LBB2_1:
0xe: {  	s16 =	sadd.s32 $0x0, s6  }
0xf: {  	[tilespmem:s2], [sflag:$0x3] =	stream.linear.gather [hbm4b:s16+s2], $0x110, $0x38;
	[tilespmem:$0x11300] =	vst v63  }
0x10: {  	_ =	swait.ge [sflag:s8], $0x110  }
0x11: {  	[sflag:s8] =	ssyncset.done $0x0  }
0x12: {  	[sflag:s8] =	ssyncadd.s32 $0xFFFFFEF0  }
0x13: {  	[tilespmem:s10], [sflag:$0x1] =	stream.indirect.gather [hbm4b:s3+s9], $0x80, s2, s9, $0xb8;
	[tilespmem:$0x11300] =	vst v63  }
0x14: {  	s30 =	sadd.s32 $0x0, s7  }
0x15: {  	[tilespmem:s11], [sflag:$0x3] =	stream.linear.gather [hbm4b:s30+s2], $0x110, $0x38;
	[tilespmem:$0x11300] =	vst v63  }
0x16: {  	_ =	swait.ge [sflag:s8], $0x110  }
0x17: {  	[sflag:s8] =	ssyncset.done $0x0  }
0x18: {  	[sflag:s8] =	ssyncadd.s32 $0xFFFFFEF0  }
0x19: {  	[tilespmem:s12], [sflag:$0x2] =	stream.indirect.gather [hbm4b:s3+s9], $0x80, s11, s9, $0xb8;
	[tilespmem:$0x11300] =	vst v63  }
0x1a: {  	_ =	swait.ge [sflag:s13], $0x8800  }
0x1b: {  	[sflag:s13] =	ssyncset.done $0x0  }
0x1c: {  	[sflag:s13] =	ssyncadd.s32 $0xFFFF7800  }
0x1d: {  	[hbm4b:s5+s2] =	stream.linear.scatter [tilespmem:s10], [sflag:$0x3], $0x8800, $0x38;
	[tilespmem:$0x11300] =	vst v63  }
0x1e: {  	_ =	swait.ge [sflag:s8], $0x8800  }
0x1f: {  	[sflag:s8] =	ssyncset.done $0x0  }
0x20: {  	[sflag:s8] =	ssyncadd.s32 $0xFFFF7800  }
0x21: {  	_ =	swait.ge [sflag:s14], $0x8800  }
0x22: {  	[sflag:s14] =	ssyncset.done $0x0  }
0x23: {  	s31 =	sadd.s32 $0x1100, s5;
	[sflag:s14] =	ssyncadd.s32 $0xFFFF7800  }
0x24: {  	[hbm4b:s31+s2] =	stream.linear.scatter [tilespmem:s12], [sflag:$0x3], $0x8800, $0x38;
	[tilespmem:$0x11300] =	vst v63  }
0x25: {  	s17 =	simm.s32 $0x44;
	_ =	swait.ge [sflag:s8], $0x8800  }
0x26: {  	s18 =	simm.s32 $0x88;
	s16 =	sadd.s32 $0x2200, s5;
	[sflag:s8] =	ssyncset.done $0x0  }
.LBB2_2:
0x27: {  	s19 =	sadd.s32 s17, s6  }
0x28: {  	[sflag:s8] =	ssyncadd.s32 $0xFFFF7800;
	s20 =	smov.u32 s18;
	s21 =	sadd.s32 $0x44, s18  }
0x29: {  	[tilespmem:s2], [sflag:$0x3] =	stream.linear.gather [hbm4b:s19+s2], $0x110, $0x38;
	[tilespmem:$0x11300] =	vst v63  }
0x2a: {  	p0 =	sne.s32 s18, $0x1DC;
	_ =	swait.ge [sflag:s8], $0x110  }
0x2b: {  	[sflag:s8] =	ssyncset.done $0x0  }
0x2c: {  	[sflag:s8] =	ssyncadd.s32 $0xFFFFFEF0  }
0x2d: {  	[tilespmem:s10], [sflag:$0x1] =	stream.indirect.gather [hbm4b:s3+s9], $0x80, s2, s9, $0xb8;
	[tilespmem:$0x11300] =	vst v63  }
0x2e: {  	s18 =	sadd.s32 s17, s7;
	s17 =	smov.u32 s20  }
0x2f: {  	[tilespmem:s11], [sflag:$0x3] =	stream.linear.gather [hbm4b:s18+s2], $0x110, $0x38;
	[tilespmem:$0x11300] =	vst v63  }
0x30: {  	_ =	swait.ge [sflag:s8], $0x110  }
0x31: {  	[sflag:s8] =	ssyncset.done $0x0  }
0x32: {  	[sflag:s8] =	ssyncadd.s32 $0xFFFFFEF0  }
0x33: {  	[tilespmem:s12], [sflag:$0x2] =	stream.indirect.gather [hbm4b:s3+s9], $0x80, s11, s9, $0xb8;
	[tilespmem:$0x11300] =	vst v63  }
0x34: {  	_ =	swait.ge [sflag:s13], $0x8800  }
0x35: {  	[sflag:s13] =	ssyncset.done $0x0  }
0x36: {  	[sflag:s13] =	ssyncadd.s32 $0xFFFF7800  }
0x37: {  	[hbm4b:s16+s2] =	stream.linear.scatter [tilespmem:s10], [sflag:$0x3], $0x8800, $0x38;
	[tilespmem:$0x11300] =	vst v63  }
0x38: {  	_ =	swait.ge [sflag:s8], $0x8800  }
0x39: {  	[sflag:s8] =	ssyncset.done $0x0  }
0x3a: {  	[sflag:s8] =	ssyncadd.s32 $0xFFFF7800  }
0x3b: {  	_ =	swait.ge [sflag:s14], $0x8800  }
.Ltmp0:
0x3c: {  	[sflag:s14] =	ssyncset.done $0x0;
	(pc) =	sbr.rel @p0 .LBB2_2-.Ltmp0, $4  }
0x3d: {  	s18 =	sadd.s32 $0x1100, s16;
	[sflag:s14] =	ssyncadd.s32 $0xFFFF7800  }
0x3e: {  	[hbm4b:s18+s2] =	stream.linear.scatter [tilespmem:s12], [sflag:$0x3], $0x8800, $0x38;
	[tilespmem:$0x11300] =	vst v63  }
0x3f: {  	_ =	swait.ge [sflag:s8], $0x8800  }
0x40: {  	s16 =	sadd.s32 $0x2200, s16;
	s18 =	smov.u32 s21;
	[sflag:s8] =	ssyncset.done $0x0  }
0x41: {  	s18 =	sadd.s32 s17, s6;
	[sflag:s8] =	ssyncadd.s32 $0xFFFF7800  }
0x42: {  	[tilespmem:s2], [sflag:$0x3] =	stream.linear.gather [hbm4b:s18+s2], $0x110, $0x38;
	[tilespmem:$0x11300] =	vst v63  }
0x43: {  	_ =	swait.ge [sflag:s8], $0x110  }
0x44: {  	[sflag:s8] =	ssyncset.done $0x0  }
0x45: {  	[sflag:s8] =	ssyncadd.s32 $0xFFFFFEF0  }
0x46: {  	[tilespmem:s10], [sflag:$0x1] =	stream.indirect.gather [hbm4b:s3+s9], $0x80, s2, s9, $0xb8;
	[tilespmem:$0x11300] =	vst v63  }
0x47: {  	s30 =	sadd.s32 s17, s7  }
0x48: {  	[tilespmem:s11], [sflag:$0x3] =	stream.linear.gather [hbm4b:s30+s2], $0x110, $0x38;
	[tilespmem:$0x11300] =	vst v63  }
0x49: {  	_ =	swait.ge [sflag:s8], $0x110  }
0x4a: {  	[sflag:s8] =	ssyncset.done $0x0  }
0x4b: {  	[sflag:s8] =	ssyncadd.s32 $0xFFFFFEF0  }
0x4c: {  	[tilespmem:s12], [sflag:$0x2] =	stream.indirect.gather [hbm4b:s3+s9], $0x80, s11, s9, $0xb8;
	[tilespmem:$0x11300] =	vst v63  }
0x4d: {  	_ =	swait.ge [sflag:s13], $0x8800  }
0x4e: {  	[sflag:s13] =	ssyncset.done $0x0  }
0x4f: {  	[sflag:s13] =	ssyncadd.s32 $0xFFFF7800  }
0x50: {  	[hbm4b:s16+s2] =	stream.linear.scatter [tilespmem:s10], [sflag:$0x3], $0x8800, $0x38;
	[tilespmem:$0x11300] =	vst v63  }
0x51: {  	_ =	swait.ge [sflag:s8], $0x8800  }
0x52: {  	[sflag:s8] =	ssyncset.done $0x0  }
0x53: {  	[sflag:s8] =	ssyncadd.s32 $0xFFFF7800  }
0x54: {  	s15 =	sadd.s32 $0x1, s15;
	_ =	swait.ge [sflag:s14], $0x8800  }
0x55: {  	p0 =	sne.s32 s15, s4;
	[sflag:s14] =	ssyncset.done $0x0  }
.Ltmp1:
0x56: {  	s31 =	sadd.s32 $0x1100, s16;
	[sflag:s14] =	ssyncadd.s32 $0xFFFF7800;
	(pc) =	sbr.rel @p0 .LBB2_1-.Ltmp1, $4  }
0x57: {  	[hbm4b:s31+s2] =	stream.linear.scatter [tilespmem:s12], [sflag:$0x3], $0x8800, $0x38;
	[tilespmem:$0x11300] =	vst v63  }
0x58: {  	_ =	swait.ge [sflag:s8], $0x8800  }
0x59: {  	[sflag:s8] =	ssyncset.done $0x0  }
0x5a: {  	[sflag:s8] =	ssyncadd.s32 $0xFFFF7800  }
0x5b: {  	_ =	sfence.sel $0x180000  }
0x5c: {  	[bflag:$0x0] =	sbarrier.arrive $0xFFFF  }
0x5d: {  	p0 =	sne.s32 s1, $0x0;
	_ =	strace $0x9000004D  }
0x5e: {  	s0 =	sadd.s32 @!p0 $0x100000, s0;
	[bflag:$0x2] =	sbarrier.arrive $0xFFFF  }
0x5f: {  	[sflag:s0] =	ssyncadd.tile.s32 @!p0 $0x1;
	_ =	shalt  }
.Lfunc_end2:
_tile_overlayer_lowered:
.L_overlay_start_2:
0x60: {  	(tag) =	ssettag $0x2  }
0x61: {  	s0 =	rddreg [dreg:$0x0];
	s2 =	stileid.u32  }
0x62: {  	s1 =	rddreg [dreg:$0x1];
	p0 =	sne.s32 s2, $0x0  }
0x63: {  	s3 =	rddreg [dreg:$0x2];
	[bflag:$0x3] =	sbarrier.arrive $0xFFFF;
	s2 =	simm.s32 @!p0 $0x1C03  }
0x64: {  	[timem:s3], [sflag:s2] =	dma.local @!p0 [hbm:s0], s1  }
0x65: {  	s0 =	simm.s32 @!p0 $0x3  }
0x66: {  	_ =	swait.ge @!p0 [sflag:s0], s1  }
0x67: {  	s1 =	ssub.s32 @!p0 $0x0, s1;
	[sflag:s0] =	ssyncset.done @!p0 $0x0  }
0x68: {  	[sflag:s0] =	ssyncadd.s32 @!p0 s1  }
0x69: {  	[bflag:$0x3] =	sbarrier.arrive $0xFFFF  }
0x6a: {  	_ =	shalt  }

// kernel: kernel.19.cloned.1.call-start
scs
__scs_entry_jumppad:
0x0: {  	(pc) =	sbr.rel $0x88, $3  }
0x1: {  	(tag) =	ssettag $0x0;
	lr =	simm.s32 $0x1  }
0x2: {  	[smem:$0x3F90] =	sst lr;
	_ =	strace $0xD0000000  }
0x3: {  	_ = 	snop  }
0x4: {  	_ = 	snop  }
0x5: {  	_ = 	snop  }
0x6: {  	_ = 	snop  }
0x7: {  	_ = 	snop  }
__scs_overlays_trampoline_lowered:
0x8: {  	[smem:$0x3F9F] =	sst s0  }
0x9: {  	[smem:$0x3FA0] =	sst s1  }
0xa: {  	[smem:$0x3FA1] =	sst s2  }
0xb: {  	[smem:$0x3FA2] =	sst s3  }
0xc: {  	[smem:$0x3FA3] =	sst s4  }
0xd: {  	[smem:$0x3FA4] =	sst s5  }
0xe: {  	[smem:$0x3FA5] =	sst s6  }
0xf: {  	[smem:$0x3FA6] =	sst s7  }
0x10: {  	[smem:$0x3FA7] =	sst s8  }
0x11: {  	[smem:$0x3FA8] =	sst s9;
	s0 =	simm.s32 @!p0 $0x0  }
0x12: {  	s1 =	sld [smem:$0x3F8E];
	s0 =	simm.s32 @p0 $0x1  }
0x13: {  	[smem:$0x3FA9] =	sst s0;
	s0 =	simm.s32 @!p1 $0x0  }
0x14: {  	s2 =	sld [smem:$0x3F8D];
	s0 =	simm.s32 @p1 $0x1  }
0x15: {  	[smem:$0x3FAA] =	sst s0;
	s0 =	simm.s32 @!p2 $0x0  }
0x16: {  	s3 =	sld [smem:$0x3FDB];
	s0 =	simm.s32 @p2 $0x1  }
0x17: {  	s4 =	simm.s32 $0x1BF5;
	[smem:$0x3FAC] =	sst s0  }
0x18: {  	s0 =	sld [smem:$0x3F8F];
	_ =	swait.ge [sflag:s4], $0x0  }
0x19: {  	s7 =	sld [smem:$0x3F90]  }
0x1a: {  	s8 =	sadd.s32 $0xFFFFE003, lr  }
0x1b: {  	s9 =	sadd.s32 $0xFFFFFEF7, lr;
	s5 =	simm.s32 $0xFFFFFFFF;
	p2 =	slt.u32 s8, $0xFFFFF086  }
0x1c: {  	p1 =	slt.u32 s9, $0xF7A;
	s5 =	simm.s32 @!p2 $0x0  }
0x1d: {  	s5 =	simm.s32 @p1 $0x1;
	p0 =	seq.s32 s7, s2  }
0x1e: {  	s7 =	smul.u32 @!p0 $0xF7A, s2;
	p2 =	seq.s32 @!p0 s5, $0x0  }
0x1f: {  	s9 =	smul.u32 $0xF7A, s1;
	s8 =	simm.s32 @!p0 $0x1BF5;
	p2 =	por !p2, p0  }
0x20: {  	[sflag:s8] =	ssyncset.s32 @!p0 $0xFFFFF086;
	s6 =	sadd.s32 @!p0 s3, s7;
	s7 =	simm.s32 @!p0 $0x108  }
0x21: {  	s3 =	sadd.s32 s3, s9;
	s6 =	sadd.s32 @!p0 $0x88, s6;
	s7 =	simm.s32 @p2 $0x1082  }
0x22: {  	[simem:s7], [sflag:s8] =	dma.local @!p0 [hbm:s6], $0xF7A  }
0x23: {  	s9 =	sor.u32 $0xD0000000, s2;
	s6 =	simm.s32 $0x108;
	_ =	swait.ge @!p0 [sflag:s8], $0x0  }
0x24: {  	s3 =	sadd.s32 $0x88, s3;
	s6 =	simm.s32 @!p1 $0x1082;
	[sflag:s4] =	ssyncset.s32 $0xFFFFF086  }
0x25: {  	[simem:s6], [sflag:s4] =	dma.local [hbm:s3], $0xF7A  }
0x26: {  	[smem:$0x3F90] =	sst s1;
	(tag) =	ssettag s2;
	_ =	strace s9  }
0x27: {  	s1 =	sld [smem:$0x3FA0]  }
0x28: {  	s2 =	sld [smem:$0x3FA1]  }
0x29: {  	s4 =	sld [smem:$0x3FA3]  }
0x2a: {  	p0 =	seq.s32 s5, $0x0;
	s5 =	sld [smem:$0x3FA4]  }
0x2b: {  	s6 =	sld [smem:$0x3FA5]  }
0x2c: {  	s7 =	sld [smem:$0x3FA6]  }
0x2d: {  	s3 =	simm.s32 $0x108;
	s8 =	sld [smem:$0x3FA7]  }
0x2e: {  	s3 =	simm.s32 @!p0 $0x1082;
	s9 =	sld [smem:$0x3FA8]  }
0x2f: {  	lr =	sadd.s32 s0, s3;
	s0 =	sld [smem:$0x3F9F]  }
0x30: {  	s3 =	sld [smem:$0x3FA2]  }
0x31: {  	[smem:$0x3FAB] =	sst s10  }
0x32: {  	s10 =	sld [smem:$0x3FA9];
	_ =	sdelay $0x3  }
0x33: {  	p0 =	seq.s32 s10, $0x1;
	s10 =	sld [smem:$0x3FAB];
	_ =	sdelay $0x3  }
0x34: {  	[smem:$0x3FAB] =	sst s10  }
0x35: {  	s10 =	sld [smem:$0x3FAA];
	_ =	sdelay $0x3  }
0x36: {  	p1 =	seq.s32 s10, $0x1;
	s10 =	sld [smem:$0x3FAB];
	_ =	sdelay $0x3  }
0x37: {  	[smem:$0x3FAB] =	sst s10  }
0x38: {  	s10 =	sld [smem:$0x3FAC]  }
0x39: {  	_ = 	snop;
	(pc) =	sbr.ind lr, $3  }
0x3a: {  	_ = 	snop  }
0x3b: {  	_ = 	snop  }
0x3c: {  	p2 =	seq.s32 s10, $0x1;
	s10 =	sld [smem:$0x3FAB]  }
0x3d: {  	_ =	shalt  }
0x3e: {  	_ =	shalt  }
0x3f: {  	_ =	shalt  }
0x40: {  	_ =	shalt  }
0x41: {  	_ =	shalt  }
0x42: {  	_ =	shalt  }
0x43: {  	_ =	shalt  }
0x44: {  	_ =	shalt  }
0x45: {  	_ =	shalt  }
0x46: {  	_ =	shalt  }
0x47: {  	_ =	shalt  }
0x48: {  	_ =	shalt  }
0x49: {  	_ =	shalt  }
0x4a: {  	_ =	shalt  }
0x4b: {  	_ =	shalt  }
0x4c: {  	_ =	shalt  }
0x4d: {  	_ =	shalt  }
0x4e: {  	_ =	shalt  }
0x4f: {  	_ =	shalt  }
0x50: {  	_ =	shalt  }
0x51: {  	_ =	shalt  }
0x52: {  	_ =	shalt  }
0x53: {  	_ =	shalt  }
0x54: {  	_ =	shalt  }
0x55: {  	_ =	shalt  }
0x56: {  	_ =	shalt  }
0x57: {  	_ =	shalt  }
0x58: {  	_ =	shalt  }
0x59: {  	_ =	shalt  }
0x5a: {  	_ =	shalt  }
0x5b: {  	_ =	shalt  }
0x5c: {  	_ =	shalt  }
0x5d: {  	_ =	shalt  }
0x5e: {  	_ =	shalt  }
0x5f: {  	_ =	shalt  }
0x60: {  	_ =	shalt  }
0x61: {  	_ =	shalt  }
0x62: {  	_ =	shalt  }
0x63: {  	_ =	shalt  }
0x64: {  	_ =	shalt  }
0x65: {  	_ =	shalt  }
0x66: {  	_ =	shalt  }
0x67: {  	_ =	shalt  }
0x68: {  	_ =	shalt  }
0x69: {  	_ =	shalt  }
0x6a: {  	_ =	shalt  }
0x6b: {  	_ =	shalt  }
0x6c: {  	_ =	shalt  }
0x6d: {  	_ =	shalt  }
0x6e: {  	_ =	shalt  }
0x6f: {  	_ =	shalt  }
0x70: {  	_ =	shalt  }
0x71: {  	_ =	shalt  }
0x72: {  	_ =	shalt  }
0x73: {  	_ =	shalt  }
0x74: {  	_ =	shalt  }
0x75: {  	_ =	shalt  }
0x76: {  	_ =	shalt  }
0x77: {  	_ =	shalt  }
0x78: {  	_ =	shalt  }
0x79: {  	_ =	shalt  }
0x7a: {  	_ =	shalt  }
0x7b: {  	_ =	shalt  }
0x7c: {  	_ =	shalt  }
0x7d: {  	_ =	shalt  }
0x7e: {  	_ =	shalt  }
0x7f: {  	_ =	shalt  }
0x80: {  	_ =	shalt  }
0x81: {  	_ =	shalt  }
0x82: {  	_ =	shalt  }
0x83: {  	_ =	shalt  }
0x84: {  	_ =	shalt  }
0x85: {  	_ =	shalt  }
0x86: {  	_ =	shalt  }
0x87: {  	_ =	shalt  }
.Lfunc_end0:
.L_simem_size_0:
called_computation.3_lowered:
.L_overlay_start_0:
0x88: {  	s2 =	sld [smem:$0x3FD9]  }
0x89: {  	s3 =	sld [smem:$0x3FFE];
	_ =	sdelay $0x1  }
0x8a: {  	s1 =	srdreg.scid  }
0x8b: {  	s0 =	sand.u32 $0x1, s1  }
0x8c: {  	s16 =	sshll.u32 s0, $0xA;
	s2 =	sadd.s32 s3, s2  }
0x8d: {  	s2 =	sadd.s32 s2, s16  }
0x8e: {  	[smem:$0x3FB7] =	sst s2  }
0x8f: {  	_ = 	snop  }
0x90: {  	(tm) =	ssettm $0x1  }
0x91: {  	s17 =	sld [smem:$0x3FFB];
	_ =	sdelay $0x3  }
0x92: {  	_ =	strace s17  }
0x93: {  	s2 =	sld [smem:$0x3FFC];
	_ =	sdelay $0x3  }
0x94: {  	_ =	strace s2  }
0x95: {  	s2 =	sld [smem:$0x3FFD];
	_ =	sdelay $0x3  }
0x96: {  	_ =	strace s2  }
0x97: {  	_ =	strace $0x8FFFFFFF  }
0x98: {  	s18 =	sld [smem:$0x3FDB];
	_ =	sdelay $0x1  }
0x99: {  	s19 =	simm.s32 $_scs_section_size  }
0x9a: {  	s4 =	simm.s32 $_size__tile_overlayer_lowered;
	s5 =	simm.s32 $_tile_overlayer_lowered  }
0x9b: {  	s22 =	simm.s32 $0x1BFF;
	s21 =	sshll.u32 s5, $0x1;
	s2 =	sadd.s32 s19, s18  }
0x9c: {  	s6 =	simm.s32 $0x0;
	s20 =	sshll.u32 s4, $0x1;
	s4 =	sadd.s32 s21, s2  }
0x9d: {  	[timem:s6], [sflag:s22] =	dma.local [hbm:s4], s20  }
0x9e: {  	_ =	swait.ge [sflag:s22], s20  }
0x9f: {  	s3 =	ssub.s32 $0x0, s20;
	[sflag:s22] =	ssyncset.done $0x0  }
0xa0: {  	[sflag:s22] =	ssyncadd.s32 s3;
	_ =	sdelay $0x1  }
0xa1: {  	s23 =	simm.s32 $0x1B8B  }
0xa2: {  	_ =	swait.ge [sflag:s23], $0x1  }
0xa3: {  	[sflag:s23] =	ssyncset.done $0x0  }
0xa4: {  	s25 =	simm.s32 $0x1B8E;
	s24 =	sld [smem:$0x3FFE];
	[sflag:s23] =	ssyncadd.s32 $0xFFFFFFFF  }
0xa5: {  	s26 =	simm.s32 $execute0_lowered;
	[smem:$0x3FD2] =	sst s25  }
0xa6: {  	s4 =	sshll.u32 s26, $0x1;
	_ =	strace $0x8000004F;
	[dreg:$0x1] =	wrdreg $0xFFFFFFFF  }
0xa7: {  	s28 =	simm.s32 $_size_execute0_lowered;
	s2 =	sadd.s32 s2, s4;
	[dreg:$0x0] =	wrdreg $0x0  }
0xa8: {  	s4 =	sshll.u32 s28, $0x1;
	[dreg:$0x2] =	wrdreg s2  }
0xa9: {  	[dreg:$0x3] =	wrdreg s4  }
0xaa: {  	[dreg:$0x4] =	wrdreg $0xC0  }
0xab: {  	_ =	task [dreg:s6], $0x5FFFF  }
0xac: {  	[dreg:$0x1] =	wrdreg $0xFFFFFFFF  }
0xad: {  	[dreg:$0x0] =	wrdreg $0x60  }
0xae: {  	[dreg:$0x2] =	wrdreg s24  }
0xaf: {  	[dreg:$0x3] =	wrdreg $0x9  }
0xb0: {  	_ =	task.clear_ibuf [dreg:s6], $0x4FFFF;
	_ =	strace $0x9000004F  }
0xb1: {  	s29 =	simm.s32 $0x9;
	_ =	strace $0x80000051  }
0xb2: {  	_ =	swait.ge [sflag:s29], $0x1  }
0xb3: {  	[sflag:s29] =	ssyncadd.s32 $0xFFFFFFFF  }
0xb4: {  	_ =	strace $0x90000051  }
0xb5: {  	_ =	sfence  }
0xb6: {  	s30 =	sld [smem:$0x0];
	_ =	sdelay $0x2  }
0xb7: {  	s31 =	sshll.u32 s1, $0xD;
	s1 =	sshrl.u32 s1, $0x2  }
0xb8: {  	s3 =	sand.u32 $0x4000, s31;
	s1 =	sadd.s32 s1, s30  }
0xb9: {  	s0 =	sor.u32 s3, s0;
	s1 =	sshll.u32 s1, $0x11  }
0xba: {  	s0 =	sor.u32 s1, s0  }
0xbb: {  	s0 =	sadd.s32 $0x8F2B, s0  }
0xbc: {  	[sflag:s0] =	ssyncadd.remote.s32 $0x1  }
0xbd: {  	_ =	sfence.sel $0xFFFF  }
0xbe: {  	[dreg:$0x0] =	wrdreg $0xFFFFFFFF;
	(pc) =	sbr.abs _section_cstart, $3  }
0xbf: {  	[dreg:$0x1] =	wrdreg $0xFFFFFFFF  }
0xc0: {  	_ =	task.clear_ibuf [dreg:s6], $0x2FFFF;
	_ =	strace $0x9FFFFFFF  }
0xc1: {  	(tm) =	ssettm $0x7FFFFFFF  }
tec
execute0_lowered:
.L_overlay_start_1:
0x0: {  	(tag) =	ssettag $0x1  }
0x1: {  	s4 =	rddreg [dreg:$0x0]  }
0x2: {  	s0 =	rddreg [dreg:$0x1]  }
0x3: {  	s2 =	simm.s32 $0x0;
	s1 =	stileid.u32;
	s3 =	srdreg.scid  }
0x4: {  	s12 =	simm.s32 $0x8B00;
	s13 =	simm.s32 $0x1;
	s14 =	simm.s32 $0x2  }
0x5: {  	s15 =	simm.s32 $0x0;
	[smem:$0x7FF] =	sst s2;
	s5 =	smul.u32 $0x22000, s1  }
0x6: {  	s6 =	sand.u32 $0x1, s3;
	s8 =	smul.u32 $0x2200, s1;
	s3 =	sadd.s32 $0x48000, s4  }
0x7: {  	s11 =	sadd.s32 $0x43C00, s4;
	s7 =	ssub.s32 $0x2, s6;
	s10 =	smul.u32 $0x1100, s6  }
0x8: {  	_ =	strace $0x80000050;
	s6 =	smul.u32 $0x11000, s6;
	s9 =	sshrl.u32 s7, $0x1  }
0x9: {  	s5 =	sadd.s32 s5, s4;
	s7 =	ssub.s32 s7, s9;
	s30 =	sadd.s32 s10, s8  }
0xa: {  	s5 =	sadd.s32 s6, s5;
	s8 =	simm.s32 $0x3;
	s9 =	simm.s32 $0x110  }
0xb: {  	s10 =	simm.s32 $0x300;
	s4 =	smax.u32 s7, $0x1;
	s7 =	sadd.s32 $0x110, s30  }
0xc: {  	s31 =	sshrl.u32 s30, $0x3;
	s5 =	sadd.s32 $0x288000, s5;
	s7 =	sshrl.u32 s7, $0x3  }
0xd: {  	s6 =	sadd.s32 s31, s11;
	s7 =	sadd.s32 s7, s11;
	s11 =	simm.s32 $0x180  }
.LBB2_1:
0xe: {  	s16 =	sadd.s32 $0x0, s6  }
0xf: {  	[tilespmem:s2], [sflag:$0x3] =	stream.linear.gather [hbm4b:s16+s2], $0x110, $0x38;
	[tilespmem:$0x11300] =	vst v63  }
0x10: {  	_ =	swait.ge [sflag:s8], $0x110  }
0x11: {  	[sflag:s8] =	ssyncset.done $0x0  }
0x12: {  	[sflag:s8] =	ssyncadd.s32 $0xFFFFFEF0  }
0x13: {  	[tilespmem:s10], [sflag:$0x1] =	stream.indirect.gather [hbm4b:s3+s9], $0x80, s2, s9, $0xb8;
	[tilespmem:$0x11300] =	vst v63  }
0x14: {  	s30 =	sadd.s32 $0x0, s7  }
0x15: {  	[tilespmem:s11], [sflag:$0x3] =	stream.linear.gather [hbm4b:s30+s2], $0x110, $0x38;
	[tilespmem:$0x11300] =	vst v63  }
0x16: {  	_ =	swait.ge [sflag:s8], $0x110  }
0x17: {  	[sflag:s8] =	ssyncset.done $0x0  }
0x18: {  	[sflag:s8] =	ssyncadd.s32 $0xFFFFFEF0  }
0x19: {  	[tilespmem:s12], [sflag:$0x2] =	stream.indirect.gather [hbm4b:s3+s9], $0x80, s11, s9, $0xb8;
	[tilespmem:$0x11300] =	vst v63  }
0x1a: {  	_ =	swait.ge [sflag:s13], $0x8800  }
0x1b: {  	[sflag:s13] =	ssyncset.done $0x0  }
0x1c: {  	[sflag:s13] =	ssyncadd.s32 $0xFFFF7800  }
0x1d: {  	[hbm4b:s5+s2] =	stream.linear.scatter [tilespmem:s10], [sflag:$0x3], $0x8800, $0x38;
	[tilespmem:$0x11300] =	vst v63  }
0x1e: {  	_ =	swait.ge [sflag:s8], $0x8800  }
0x1f: {  	[sflag:s8] =	ssyncset.done $0x0  }
0x20: {  	[sflag:s8] =	ssyncadd.s32 $0xFFFF7800  }
0x21: {  	_ =	swait.ge [sflag:s14], $0x8800  }
0x22: {  	[sflag:s14] =	ssyncset.done $0x0  }
0x23: {  	s31 =	sadd.s32 $0x1100, s5;
	[sflag:s14] =	ssyncadd.s32 $0xFFFF7800  }
0x24: {  	[hbm4b:s31+s2] =	stream.linear.scatter [tilespmem:s12], [sflag:$0x3], $0x8800, $0x38;
	[tilespmem:$0x11300] =	vst v63  }
0x25: {  	s17 =	simm.s32 $0x44;
	_ =	swait.ge [sflag:s8], $0x8800  }
0x26: {  	s18 =	simm.s32 $0x88;
	s16 =	sadd.s32 $0x2200, s5;
	[sflag:s8] =	ssyncset.done $0x0  }
.LBB2_2:
0x27: {  	s19 =	sadd.s32 s17, s6  }
0x28: {  	[sflag:s8] =	ssyncadd.s32 $0xFFFF7800;
	s20 =	smov.u32 s18;
	s21 =	sadd.s32 $0x44, s18  }
0x29: {  	[tilespmem:s2], [sflag:$0x3] =	stream.linear.gather [hbm4b:s19+s2], $0x110, $0x38;
	[tilespmem:$0x11300] =	vst v63  }
0x2a: {  	p0 =	sne.s32 s18, $0x1DC;
	_ =	swait.ge [sflag:s8], $0x110  }
0x2b: {  	[sflag:s8] =	ssyncset.done $0x0  }
0x2c: {  	[sflag:s8] =	ssyncadd.s32 $0xFFFFFEF0  }
0x2d: {  	[tilespmem:s10], [sflag:$0x1] =	stream.indirect.gather [hbm4b:s3+s9], $0x80, s2, s9, $0xb8;
	[tilespmem:$0x11300] =	vst v63  }
0x2e: {  	s18 =	sadd.s32 s17, s7;
	s17 =	smov.u32 s20  }
0x2f: {  	[tilespmem:s11], [sflag:$0x3] =	stream.linear.gather [hbm4b:s18+s2], $0x110, $0x38;
	[tilespmem:$0x11300] =	vst v63  }
0x30: {  	_ =	swait.ge [sflag:s8], $0x110  }
0x31: {  	[sflag:s8] =	ssyncset.done $0x0  }
0x32: {  	[sflag:s8] =	ssyncadd.s32 $0xFFFFFEF0  }
0x33: {  	[tilespmem:s12], [sflag:$0x2] =	stream.indirect.gather [hbm4b:s3+s9], $0x80, s11, s9, $0xb8;
	[tilespmem:$0x11300] =	vst v63  }
0x34: {  	_ =	swait.ge [sflag:s13], $0x8800  }
0x35: {  	[sflag:s13] =	ssyncset.done $0x0  }
0x36: {  	[sflag:s13] =	ssyncadd.s32 $0xFFFF7800  }
0x37: {  	[hbm4b:s16+s2] =	stream.linear.scatter [tilespmem:s10], [sflag:$0x3], $0x8800, $0x38;
	[tilespmem:$0x11300] =	vst v63  }
0x38: {  	_ =	swait.ge [sflag:s8], $0x8800  }
0x39: {  	[sflag:s8] =	ssyncset.done $0x0  }
0x3a: {  	[sflag:s8] =	ssyncadd.s32 $0xFFFF7800  }
0x3b: {  	_ =	swait.ge [sflag:s14], $0x8800  }
.Ltmp0:
0x3c: {  	[sflag:s14] =	ssyncset.done $0x0;
	(pc) =	sbr.rel @p0 .LBB2_2-.Ltmp0, $4  }
0x3d: {  	s18 =	sadd.s32 $0x1100, s16;
	[sflag:s14] =	ssyncadd.s32 $0xFFFF7800  }
0x3e: {  	[hbm4b:s18+s2] =	stream.linear.scatter [tilespmem:s12], [sflag:$0x3], $0x8800, $0x38;
	[tilespmem:$0x11300] =	vst v63  }
0x3f: {  	_ =	swait.ge [sflag:s8], $0x8800  }
0x40: {  	s16 =	sadd.s32 $0x2200, s16;
	s18 =	smov.u32 s21;
	[sflag:s8] =	ssyncset.done $0x0  }
0x41: {  	s18 =	sadd.s32 s17, s6;
	[sflag:s8] =	ssyncadd.s32 $0xFFFF7800  }
0x42: {  	[tilespmem:s2], [sflag:$0x3] =	stream.linear.gather [hbm4b:s18+s2], $0x110, $0x38;
	[tilespmem:$0x11300] =	vst v63  }
0x43: {  	_ =	swait.ge [sflag:s8], $0x110  }
0x44: {  	[sflag:s8] =	ssyncset.done $0x0  }
0x45: {  	[sflag:s8] =	ssyncadd.s32 $0xFFFFFEF0  }
0x46: {  	[tilespmem:s10], [sflag:$0x1] =	stream.indirect.gather [hbm4b:s3+s9], $0x80, s2, s9, $0xb8;
	[tilespmem:$0x11300] =	vst v63  }
0x47: {  	s30 =	sadd.s32 s17, s7  }
0x48: {  	[tilespmem:s11], [sflag:$0x3] =	stream.linear.gather [hbm4b:s30+s2], $0x110, $0x38;
	[tilespmem:$0x11300] =	vst v63  }
0x49: {  	_ =	swait.ge [sflag:s8], $0x110  }
0x4a: {  	[sflag:s8] =	ssyncset.done $0x0  }
0x4b: {  	[sflag:s8] =	ssyncadd.s32 $0xFFFFFEF0  }
0x4c: {  	[tilespmem:s12], [sflag:$0x2] =	stream.indirect.gather [hbm4b:s3+s9], $0x80, s11, s9, $0xb8;
	[tilespmem:$0x11300] =	vst v63  }
0x4d: {  	_ =	swait.ge [sflag:s13], $0x8800  }
0x4e: {  	[sflag:s13] =	ssyncset.done $0x0  }
0x4f: {  	[sflag:s13] =	ssyncadd.s32 $0xFFFF7800  }
0x50: {  	[hbm4b:s16+s2] =	stream.linear.scatter [tilespmem:s10], [sflag:$0x3], $0x8800, $0x38;
	[tilespmem:$0x11300] =	vst v63  }
0x51: {  	_ =	swait.ge [sflag:s8], $0x8800  }
0x52: {  	[sflag:s8] =	ssyncset.done $0x0  }
0x53: {  	[sflag:s8] =	ssyncadd.s32 $0xFFFF7800  }
0x54: {  	s15 =	sadd.s32 $0x1, s15;
	_ =	swait.ge [sflag:s14], $0x8800  }
0x55: {  	p0 =	sne.s32 s15, s4;
	[sflag:s14] =	ssyncset.done $0x0  }
.Ltmp1:
0x56: {  	s31 =	sadd.s32 $0x1100, s16;
	[sflag:s14] =	ssyncadd.s32 $0xFFFF7800;
	(pc) =	sbr.rel @p0 .LBB2_1-.Ltmp1, $4  }
0x57: {  	[hbm4b:s31+s2] =	stream.linear.scatter [tilespmem:s12], [sflag:$0x3], $0x8800, $0x38;
	[tilespmem:$0x11300] =	vst v63  }
0x58: {  	_ =	swait.ge [sflag:s8], $0x8800  }
0x59: {  	[sflag:s8] =	ssyncset.done $0x0  }
0x5a: {  	[sflag:s8] =	ssyncadd.s32 $0xFFFF7800  }
0x5b: {  	_ =	sfence.sel $0x180000  }
0x5c: {  	[bflag:$0x0] =	sbarrier.arrive $0xFFFF  }
0x5d: {  	p0 =	sne.s32 s1, $0x0;
	_ =	strace $0x90000050  }
0x5e: {  	s0 =	sadd.s32 @!p0 $0x100000, s0;
	[bflag:$0x2] =	sbarrier.arrive $0xFFFF  }
0x5f: {  	[sflag:s0] =	ssyncadd.tile.s32 @!p0 $0x1;
	_ =	shalt  }
.Lfunc_end2:
_tile_overlayer_lowered:
.L_overlay_start_2:
0x60: {  	(tag) =	ssettag $0x2  }
0x61: {  	s0 =	rddreg [dreg:$0x0];
	s2 =	stileid.u32  }
0x62: {  	s1 =	rddreg [dreg:$0x1];
	p0 =	sne.s32 s2, $0x0  }
0x63: {  	s3 =	rddreg [dreg:$0x2];
	[bflag:$0x3] =	sbarrier.arrive $0xFFFF;
	s2 =	simm.s32 @!p0 $0x1C03  }
0x64: {  	[timem:s3], [sflag:s2] =	dma.local @!p0 [hbm:s0], s1  }
0x65: {  	s0 =	simm.s32 @!p0 $0x3  }
0x66: {  	_ =	swait.ge @!p0 [sflag:s0], s1  }
0x67: {  	s1 =	ssub.s32 @!p0 $0x0, s1;
	[sflag:s0] =	ssyncset.done @!p0 $0x0  }
0x68: {  	[sflag:s0] =	ssyncadd.s32 @!p0 s1  }
0x69: {  	[bflag:$0x3] =	sbarrier.arrive $0xFFFF  }
0x6a: {  	_ =	shalt  }

</sc_bundles>
